<compile_context>
chip_gen: v7x
topology: tpu7x:2x2x1
jax: 0.10.2.dev20260603
libtpu: 0.0.44.dev20260713+nightly
codegen_flags: <defaults>
</compile_context>

<pallas_src>
import functools

import jax
import jax.numpy as jnp
from jax import lax
from jax.experimental import pallas as pl
from jax.experimental.pallas import tpu as pltpu
from jax.experimental.pallas import tpu_sc as plsc

_ALPHA = 0.05
_BETA = 1.5

_N = 10000
_E = 320000
_D = 128
_NPAD = 10240
_NBLK = _NPAD // 128

_NC = 2
_NS = 16
_NW = _NC * _NS

_K1 = 79
_E1 = _NW * _K1 * 128
_C2 = 128
_K2 = 82
_E2 = _NW * _K2 * _C2
_PACK = 16384

_ROWS_PER_TILE = _NPAD // _NS

def _deg_body(rows_hbm, ones_hbm, degp_hbm, idx_v, ones_v, zer_v, acc_sh,
              dsem):
    c = lax.axis_index("c")
    s = lax.axis_index("s")
    wid = s * _NC + c
    pltpu.sync_copy(rows_hbm.at[wid], idx_v)
    pltpu.sync_copy(ones_hbm, ones_v)

    def zb(i, _):
        zer_v[pl.ds(i * 16, 16)] = jnp.zeros((16,), jnp.float32)
        return 0

    lax.fori_loop(0, _ROWS_PER_TILE // 16, zb, 0)
    base = s * _ROWS_PER_TILE
    pltpu.sync_copy(zer_v, acc_sh.at[pl.ds(base, _ROWS_PER_TILE)])
    plsc.subcore_barrier()

    def body(g, _):
        for t in range(8):
            j = g * 8 + t

            @pl.when(j < _K1)
            def _():
                pltpu.async_copy(ones_v, acc_sh.at[idx_v.at[j]], dsem,
                                 add=True)
        for t in range(8):
            j = g * 8 + t

            @pl.when(j < _K1)
            def _():
                pltpu.make_async_copy(ones_v, acc_sh.at[idx_v.at[j]],
                                      dsem).wait()
        return 0

    lax.fori_loop(0, (_K1 + 7) // 8, body, 0)
    plsc.subcore_barrier()
    pltpu.sync_copy(
        acc_sh.at[pl.ds(base, _ROWS_PER_TILE)],
        degp_hbm.at[c, pl.ds(base, _ROWS_PER_TILE)],
    )


def _spmm_body(pidx_hbm, zeros_hbm, hp_hbm, accp_hbm,
               pidx, uring, buf0, buf1, acc_sh,
               gsem0, gsem1, ssem0, ssem1):
    c = lax.axis_index("c")
    s = lax.axis_index("s")
    wid = s * _NC + c
    pltpu.sync_copy(pidx_hbm.at[wid], pidx)

    def unpack(j, phase):
        def ub(k, _):
            pk = pidx[j, pl.ds(k * 16, 16)]
            uring[phase, 0, pl.ds(k * 16, 16)] = lax.bitwise_and(pk, _PACK - 1)
            uring[phase, 1, pl.ds(k * 16, 16)] = lax.shift_right_logical(
                pk, 14)
            return 0
        lax.fori_loop(0, _C2 // 16, ub, 0)

    pltpu.sync_copy(zeros_hbm, buf0)
    base = s * _ROWS_PER_TILE
    for t in range(0, _ROWS_PER_TILE, _C2):
        n = min(_C2, _ROWS_PER_TILE - t)
        pltpu.async_copy(buf0.at[pl.ds(0, n)], acc_sh.at[pl.ds(base + t, n)],
                         ssem0)
    for t in range(0, _ROWS_PER_TILE, _C2):
        n = min(_C2, _ROWS_PER_TILE - t)
        pltpu.make_async_copy(buf0.at[pl.ds(0, n)],
                              acc_sh.at[pl.ds(base + t, n)], ssem0).wait()
    plsc.subcore_barrier()

    bufs = (buf0, buf1)
    gsems = (gsem0, gsem1)
    ssems = (ssem0, ssem1)

    unpack(0, 0)
    pltpu.async_copy(hp_hbm.at[uring.at[0, 0]], buf0, gsem0)

    def step(j, tb, tp):
        nb, np_ = 1 - tb, (tp + 1) % 4

        @pl.when(j + 1 < _K2)
        def _():
            unpack(j + 1, np_)

        @pl.when(j >= 1)
        def _():
            pltpu.make_async_copy(
                bufs[nb], acc_sh.at[uring.at[(np_ + 2) % 4, 1]],
                ssems[nb]).wait()

        @pl.when(j + 1 < _K2)
        def _():
            pltpu.async_copy(hp_hbm.at[uring.at[np_, 0]], bufs[nb],
                             gsems[nb])

        pltpu.make_async_copy(hp_hbm.at[uring.at[tp, 0]], bufs[tb],
                              gsems[tb]).wait()
        pltpu.async_copy(bufs[tb], acc_sh.at[uring.at[tp, 1]], ssems[tb],
                         add=True)

    def body(i, _):
        j = 4 * i
        step(j, 0, 0)
        step(j + 1, 1, 1)
        step(j + 2, 0, 2)
        step(j + 3, 1, 3)
        return 0

    lax.fori_loop(0, _K2 // 4, body, 0)
    step(_K2 - 2, 0, (_K2 - 2) % 4)
    step(_K2 - 1, 1, (_K2 - 1) % 4)
    pltpu.make_async_copy(buf1, acc_sh.at[uring.at[(_K2 - 1) % 4, 1]],
                          ssem1).wait()
    plsc.subcore_barrier()
    for t in range(_ROWS_PER_TILE // 128):
        pltpu.async_copy(
            acc_sh.at[pl.ds(base + t * 128, 128)],
            accp_hbm.at[c, pl.ds(base + t * 128, 128)], gsem0)
    for t in range(_ROWS_PER_TILE // 128):
        pltpu.make_async_copy(
            acc_sh.at[pl.ds(base + t * 128, 128)],
            accp_hbm.at[c, pl.ds(base + t * 128, 128)], gsem0).wait()


@functools.lru_cache(maxsize=None)
def _sc_kernels():
    mesh = plsc.VectorSubcoreMesh(core_axis_name="c", subcore_axis_name="s")
    deg_kernel = pl.kernel(
        _deg_body,
        out_type=jax.ShapeDtypeStruct((_NC, _NPAD), jnp.float32),
        mesh=mesh,
        scratch_types=[
            pltpu.VMEM((_K1, 128), jnp.int32),
            pltpu.VMEM((128,), jnp.float32),
            pltpu.VMEM((_ROWS_PER_TILE,), jnp.float32),
            pltpu.VMEM_SHARED((_NPAD,), jnp.float32),
            pltpu.SemaphoreType.DMA,
        ],
    )
    spmm_kernel = pl.kernel(
        _spmm_body,
        out_type=jax.ShapeDtypeStruct((_NC, _NPAD, _D), jnp.float32),
        mesh=mesh,
        scratch_types=[
            pltpu.VMEM((_K2, _C2), jnp.int32),
            pltpu.VMEM((4, 2, _C2), jnp.int32),
            pltpu.VMEM((_C2, _D), jnp.float32),
            pltpu.VMEM((_C2, _D), jnp.float32),
            pltpu.VMEM_SHARED((_NPAD, _D), jnp.float32),
            pltpu.SemaphoreType.DMA,
            pltpu.SemaphoreType.DMA,
            pltpu.SemaphoreType.DMA,
            pltpu.SemaphoreType.DMA,
        ],
    )
    return deg_kernel, spmm_kernel


def _mm_body(x_ref, w_ref, b_ref, d0_ref, d1_ref, h_ref, hp_ref, dis_ref):
    x = x_ref[...]
    w = w_ref[...]
    h = lax.dot_general(x, w, (((1,), (1,)), ((), ())),
                        preferred_element_type=jnp.float32)
    h = h + b_ref[0, :][None, :]
    deg = 1.0 + d0_ref[0, 0, :] + d1_ref[0, 0, :]
    dis = lax.rsqrt(deg)
    dis_ref[0, 0, :] = dis
    h_ref[...] = h
    hp_ref[...] = h * dis[:, None]


def _mm_call(xp, W, bb, d0, d1):
    return pl.pallas_call(
        _mm_body,
        grid=(_NBLK,),
        in_specs=[
            pl.BlockSpec((128, _D), lambda i: (i, 0)),
            pl.BlockSpec((_D, _D), lambda i: (0, 0)),
            pl.BlockSpec((8, _D), lambda i: (0, 0)),
            pl.BlockSpec((1, 1, 128), lambda i: (i, 0, 0)),
            pl.BlockSpec((1, 1, 128), lambda i: (i, 0, 0)),
        ],
        out_specs=[
            pl.BlockSpec((128, _D), lambda i: (i, 0)),
            pl.BlockSpec((128, _D), lambda i: (i, 0)),
            pl.BlockSpec((1, 1, 128), lambda i: (i, 0, 0)),
        ],
        out_shape=[
            jax.ShapeDtypeStruct((_NPAD, _D), jnp.float32),
            jax.ShapeDtypeStruct((_NPAD, _D), jnp.float32),
            jax.ShapeDtypeStruct((_NBLK, 1, 128), jnp.float32),
        ],
    )(xp, W, bb, d0, d1)


def _comb_body(h_ref, a0_ref, a1_ref, dis_ref, o_ref):
    h = h_ref[...]
    a = a0_ref[...] + a1_ref[...]
    dis = dis_ref[0, 0, :]
    o_ref[...] = ((1.0 - _ALPHA) * h + _ALPHA * (dis[:, None] * a)
                  + _BETA * jnp.maximum(h, 0.0))


def _comb_call(h, a0, a1, dis):
    return pl.pallas_call(
        _comb_body,
        grid=(_NBLK,),
        in_specs=[
            pl.BlockSpec((128, _D), lambda i: (i, 0)),
            pl.BlockSpec((128, _D), lambda i: (i, 0)),
            pl.BlockSpec((128, _D), lambda i: (i, 0)),
            pl.BlockSpec((1, 1, 128), lambda i: (i, 0, 0)),
        ],
        out_specs=pl.BlockSpec((128, _D), lambda i: (i, 0)),
        out_shape=jax.ShapeDtypeStruct((_NPAD, _D), jnp.float32),
    )(h, a0, a1, dis)


@jax.jit
def kernel(x, edge_index, W, b):
    row = edge_index[0]
    col = edge_index[1]
    loops = jnp.arange(_N, dtype=jnp.int32)

    pad1 = _N + jnp.arange(_E1 - _E, dtype=jnp.int32) % (_NPAD - _N)
    rows1 = jnp.concatenate([row, pad1]).reshape(_NW, _K1, 128)
    npad2 = _E2 - _E - _N
    padr = _N + jnp.arange(npad2, dtype=jnp.int32) % (_NPAD - _N)
    padc = jnp.arange(npad2, dtype=jnp.int32) % _N
    packed = jnp.concatenate(
        [row * _PACK + col, loops * _PACK + loops, padr * _PACK + padc]
    ).reshape(_NW, _K2, _C2)
    ones_v = jnp.ones((128,), jnp.float32)

    deg_kernel, spmm_kernel = _sc_kernels()
    degp = deg_kernel(rows1, ones_v)
    zeros2 = jnp.zeros((_C2, _D), jnp.float32)

    xp = jnp.concatenate([x, jnp.zeros((_NPAD - _N, _D), jnp.float32)])
    bb = jnp.broadcast_to(b, (8, _D))
    d0 = degp[0].reshape(_NBLK, 1, 128)
    d1 = degp[1].reshape(_NBLK, 1, 128)
    h, hp, dis = _mm_call(xp, W, bb, d0, d1)

    accp = spmm_kernel(packed, zeros2, hp)
    out = _comb_call(h, accp[0], accp[1], dis)
    return out[:_N]

# --- scband reference (transcript-rebuilt; emitter-appended) ---
"""Pipeline reference for scband-pdegnnlayer-11381663334873 (READ-ONLY COPY).

The authoritative reference and input builder live on the scoring server;
editing this copy changes nothing except your own understanding.
"""

import jax, jax.numpy as jnp
import numpy as np

ALPHA = 0.05
BETA = 1.5
N_NODES = 10000
N_EDGES = 320000
D_IN = 128
D_OUT = 128


def setup_inputs(seed: int = 0) -> dict:
    key = jax.random.key(seed)
    k1, k2, k3, k4 = jax.random.split(key, 4)
    x = jax.random.normal(k1, (N_NODES, D_IN), dtype=jnp.float32)
    edge_index = jax.random.randint(k2, (2, N_EDGES), 0, N_NODES, dtype=jnp.int32)
    # Linear layer params (torch.nn.Linear: y = x @ W.T + b)
    bound = 1.0 / np.sqrt(D_IN)
    W = jax.random.uniform(k3, (D_OUT, D_IN), dtype=jnp.float32, minval=-bound, maxval=bound)
    b = jax.random.uniform(k4, (D_OUT,), dtype=jnp.float32, minval=-bound, maxval=bound)
    return {"x": x, "edge_index": edge_index, "W": W, "b": b}


def reference(x, edge_index, W, b):
    N = x.shape[0]
    h = x @ W.T + b
    # add_self_loops
    loops = jnp.arange(N, dtype=edge_index.dtype)
    ei = jnp.concatenate([edge_index, jnp.stack([loops, loops], axis=0)], axis=1)
    row, col = ei[0], ei[1]
    # degree of row nodes
    deg = jnp.zeros((N,), dtype=h.dtype).at[row].add(1.0)
    deg_inv_sqrt = jnp.where(deg > 0, deg ** -0.5, 0.0)
    norm = deg_inv_sqrt[row] * deg_inv_sqrt[col]
    # sparse.mm(adj, h): out[i] = sum over edges (i=row) of norm * h[col]
    diffusion_part = jnp.zeros_like(h).at[row].add(norm[:, None] * h[col])
    diffusion = ALPHA * (diffusion_part - h)
    reaction = BETA * jax.nn.relu(h)
    return h + diffusion + reaction

if __name__ == "__main__":
    import jax
    _d = setup_inputs()
    print(jax.jit(kernel)(*tuple(_d.values())))

</pallas_src>

<mosaic_0001>
#map = affine_map<(d0, d1) -> (0, 0, 0)>
#map1 = affine_map<(d0, d1) -> (0, 0)>
module attributes {stable_mosaic.version = 14 : i64} {
  func.func @_spmm_body(%arg0: i32, %arg1: i32, %arg2: memref<32x82x128xi32, #tpu.memory_space<hbm>>, %arg3: memref<128x128xf32, #tpu.memory_space<hbm>>, %arg4: memref<10240x128xf32, #tpu.memory_space<hbm>>, %arg5: memref<2x10240x128xf32, #tpu.memory_space<hbm>>, %arg6: memref<82x128xi32, #tpu.memory_space<vmem>>, %arg7: memref<4x2x128xi32, #tpu.memory_space<vmem>>, %arg8: memref<128x128xf32, #tpu.memory_space<vmem>>, %arg9: memref<128x128xf32, #tpu.memory_space<vmem>>, %arg10: memref<10240x128xf32, #tpu.memory_space<vmem_shared>>, %arg11: memref<!tpu.dma_semaphore, #tpu.memory_space<semaphore_mem>>, %arg12: memref<!tpu.dma_semaphore, #tpu.memory_space<semaphore_mem>>, %arg13: memref<!tpu.dma_semaphore, #tpu.memory_space<semaphore_mem>>, %arg14: memref<!tpu.dma_semaphore, #tpu.memory_space<semaphore_mem>>) attributes {dimension_semantics = [#tpu.dimension_semantics<core_parallel>, #tpu.dimension_semantics<subcore_parallel>], iteration_bounds = array<i64: 2, 16>, scalar_prefetch = 0 : i64, scratch_operands = 9 : i64, tpu.core_type = #tpu.core_type<sc_vector_subcore>, window_params = [{transform_indices = #map}, {transform_indices = #map1}, {transform_indices = #map1}, {transform_indices = #map}]} {
    %mul3A = arith.constant 2 : i32
    %mul3A_0 = arith.muli %arg1, %mul3A : i32
    %add3A = arith.addi %mul3A_0, %arg0 : i32
    "tpu.region"() ({
      %run_scoped3A = tpu.sem_alloc : memref<!tpu.dma_semaphore, #tpu.memory_space<semaphore_mem>>
      %dma_start3A_304 = arith.constant 0 : i32
      %dma_start3A_305 = arith.constant 0 : i32
      %dma_start3A_306 = tpu.memref_slice %arg2[%add3A, %dma_start3A_304, %dma_start3A_305] : memref<32x82x128xi32, #tpu.memory_space<hbm>> -> memref<1x82x128xi32, #tpu.memory_space<hbm>>
      %dma_start3A_307 = tpu.memref_squeeze %dma_start3A_306 : memref<1x82x128xi32, #tpu.memory_space<hbm>> -> memref<82x128xi32, #tpu.memory_space<hbm>>
      %dma_start3A_308 = arith.constant 0 : i32
      %dma_start3A_309 = arith.constant 0 : i32
      %dma_start3A_310 = tpu.memref_slice %arg2[%add3A, %dma_start3A_308, %dma_start3A_309] : memref<32x82x128xi32, #tpu.memory_space<hbm>> -> memref<1x82x128xi32, #tpu.memory_space<hbm>>
      %dma_start3A_311 = tpu.memref_squeeze %dma_start3A_310 : memref<1x82x128xi32, #tpu.memory_space<hbm>> -> memref<82x128xi32, #tpu.memory_space<hbm>>
      tpu.enqueue_dma source(%dma_start3A_311 : memref<82x128xi32, #tpu.memory_space<hbm>>) target(%arg6 : memref<82x128xi32, #tpu.memory_space<vmem>>) target_semaphore(%run_scoped3A : memref<!tpu.dma_semaphore, #tpu.memory_space<semaphore_mem>>)
      %dma_wait3A_312 = arith.constant 0 : i32
      %dma_wait3A_313 = arith.constant 0 : i32
      %dma_wait3A_314 = tpu.memref_slice %arg2[%add3A, %dma_wait3A_312, %dma_wait3A_313] : memref<32x82x128xi32, #tpu.memory_space<hbm>> -> memref<1x82x128xi32, #tpu.memory_space<hbm>>
      %dma_wait3A_315 = tpu.memref_squeeze %dma_wait3A_314 : memref<1x82x128xi32, #tpu.memory_space<hbm>> -> memref<82x128xi32, #tpu.memory_space<hbm>>
      %dma_wait3A_316 = arith.constant 0 : i32
      %dma_wait3A_317 = arith.constant 0 : i32
      %dma_wait3A_318 = tpu.memref_slice %arg2[%add3A, %dma_wait3A_316, %dma_wait3A_317] : memref<32x82x128xi32, #tpu.memory_space<hbm>> -> memref<1x82x128xi32, #tpu.memory_space<hbm>>
      %dma_wait3A_319 = tpu.memref_squeeze %dma_wait3A_318 : memref<1x82x128xi32, #tpu.memory_space<hbm>> -> memref<82x128xi32, #tpu.memory_space<hbm>>
      tpu.wait_dma2 semaphore(%run_scoped3A : memref<!tpu.dma_semaphore, #tpu.memory_space<semaphore_mem>>) src(%dma_wait3A_319 : memref<82x128xi32, #tpu.memory_space<hbm>>) dst(%arg6 : memref<82x128xi32, #tpu.memory_space<vmem>>)
      tpu.yield
    }) : () -> ()
    "tpu.region"() ({
      %run_scoped3A = tpu.sem_alloc : memref<!tpu.dma_semaphore, #tpu.memory_space<semaphore_mem>>
      tpu.enqueue_dma source(%arg3 : memref<128x128xf32, #tpu.memory_space<hbm>>) target(%arg8 : memref<128x128xf32, #tpu.memory_space<vmem>>) target_semaphore(%run_scoped3A : memref<!tpu.dma_semaphore, #tpu.memory_space<semaphore_mem>>)
      tpu.wait_dma2 semaphore(%run_scoped3A : memref<!tpu.dma_semaphore, #tpu.memory_space<semaphore_mem>>) src(%arg3 : memref<128x128xf32, #tpu.memory_space<hbm>>) dst(%arg8 : memref<128x128xf32, #tpu.memory_space<vmem>>)
      tpu.yield
    }) : () -> ()
    %mul3A_1 = arith.constant 640 : i32
    %mul3A_2 = arith.muli %arg1, %mul3A_1 : i32
    %add3A_3 = arith.constant 0 : i32
    %add3A_4 = arith.addi %mul3A_2, %add3A_3 : i32
    %dma_start3A = arith.constant 0 : i32
    %dma_start3A_5 = arith.constant 0 : i32
    %dma_start3A_6 = tpu.memref_slice %arg8[%dma_start3A, %dma_start3A_5] : memref<128x128xf32, #tpu.memory_space<vmem>> -> memref<128x128xf32, #tpu.memory_space<vmem>>
    %dma_start3A_7 = arith.constant 0 : i32
    %dma_start3A_8 = tpu.memref_slice %arg10[%add3A_4, %dma_start3A_7] : memref<10240x128xf32, #tpu.memory_space<vmem_shared>> -> memref<128x128xf32, #tpu.memory_space<vmem_shared>>
    %dma_start3A_9 = arith.constant 0 : i32
    %dma_start3A_10 = tpu.memref_slice %arg10[%add3A_4, %dma_start3A_9] : memref<10240x128xf32, #tpu.memory_space<vmem_shared>> -> memref<128x128xf32, #tpu.memory_space<vmem_shared>>
    %dma_start3A_11 = arith.constant 0 : i32
    %dma_start3A_12 = arith.constant 0 : i32
    %dma_start3A_13 = tpu.memref_slice %arg8[%dma_start3A_11, %dma_start3A_12] : memref<128x128xf32, #tpu.memory_space<vmem>> -> memref<128x128xf32, #tpu.memory_space<vmem>>
    tpu.enqueue_dma source(%dma_start3A_13 : memref<128x128xf32, #tpu.memory_space<vmem>>) target(%dma_start3A_10 : memref<128x128xf32, #tpu.memory_space<vmem_shared>>) target_semaphore(%arg13 : memref<!tpu.dma_semaphore, #tpu.memory_space<semaphore_mem>>)
    %add3A_14 = arith.constant 128 : i32
    %add3A_15 = arith.addi %mul3A_2, %add3A_14 : i32
    %dma_start3A_16 = arith.constant 0 : i32
    %dma_start3A_17 = arith.constant 0 : i32
    %dma_start3A_18 = tpu.memref_slice %arg8[%dma_start3A_16, %dma_start3A_17] : memref<128x128xf32, #tpu.memory_space<vmem>> -> memref<128x128xf32, #tpu.memory_space<vmem>>
    %dma_start3A_19 = arith.constant 0 : i32
    %dma_start3A_20 = tpu.memref_slice %arg10[%add3A_15, %dma_start3A_19] : memref<10240x128xf32, #tpu.memory_space<vmem_shared>> -> memref<128x128xf32, #tpu.memory_space<vmem_shared>>
    %dma_start3A_21 = arith.constant 0 : i32
    %dma_start3A_22 = tpu.memref_slice %arg10[%add3A_15, %dma_start3A_21] : memref<10240x128xf32, #tpu.memory_space<vmem_shared>> -> memref<128x128xf32, #tpu.memory_space<vmem_shared>>
    %dma_start3A_23 = arith.constant 0 : i32
    %dma_start3A_24 = arith.constant 0 : i32
    %dma_start3A_25 = tpu.memref_slice %arg8[%dma_start3A_23, %dma_start3A_24] : memref<128x128xf32, #tpu.memory_space<vmem>> -> memref<128x128xf32, #tpu.memory_space<vmem>>
    tpu.enqueue_dma source(%dma_start3A_25 : memref<128x128xf32, #tpu.memory_space<vmem>>) target(%dma_start3A_22 : memref<128x128xf32, #tpu.memory_space<vmem_shared>>) target_semaphore(%arg13 : memref<!tpu.dma_semaphore, #tpu.memory_space<semaphore_mem>>)
    %add3A_26 = arith.constant 256 : i32
    %add3A_27 = arith.addi %mul3A_2, %add3A_26 : i32
    %dma_start3A_28 = arith.constant 0 : i32
    %dma_start3A_29 = arith.constant 0 : i32
    %dma_start3A_30 = tpu.memref_slice %arg8[%dma_start3A_28, %dma_start3A_29] : memref<128x128xf32, #tpu.memory_space<vmem>> -> memref<128x128xf32, #tpu.memory_space<vmem>>
    %dma_start3A_31 = arith.constant 0 : i32
    %dma_start3A_32 = tpu.memref_slice %arg10[%add3A_27, %dma_start3A_31] : memref<10240x128xf32, #tpu.memory_space<vmem_shared>> -> memref<128x128xf32, #tpu.memory_space<vmem_shared>>
    %dma_start3A_33 = arith.constant 0 : i32
    %dma_start3A_34 = tpu.memref_slice %arg10[%add3A_27, %dma_start3A_33] : memref<10240x128xf32, #tpu.memory_space<vmem_shared>> -> memref<128x128xf32, #tpu.memory_space<vmem_shared>>
    %dma_start3A_35 = arith.constant 0 : i32
    %dma_start3A_36 = arith.constant 0 : i32
    %dma_start3A_37 = tpu.memref_slice %arg8[%dma_start3A_35, %dma_start3A_36] : memref<128x128xf32, #tpu.memory_space<vmem>> -> memref<128x128xf32, #tpu.memory_space<vmem>>
    tpu.enqueue_dma source(%dma_start3A_37 : memref<128x128xf32, #tpu.memory_space<vmem>>) target(%dma_start3A_34 : memref<128x128xf32, #tpu.memory_space<vmem_shared>>) target_semaphore(%arg13 : memref<!tpu.dma_semaphore, #tpu.memory_space<semaphore_mem>>)
    %add3A_38 = arith.constant 384 : i32
    %add3A_39 = arith.addi %mul3A_2, %add3A_38 : i32
    %dma_start3A_40 = arith.constant 0 : i32
    %dma_start3A_41 = arith.constant 0 : i32
    %dma_start3A_42 = tpu.memref_slice %arg8[%dma_start3A_40, %dma_start3A_41] : memref<128x128xf32, #tpu.memory_space<vmem>> -> memref<128x128xf32, #tpu.memory_space<vmem>>
    %dma_start3A_43 = arith.constant 0 : i32
    %dma_start3A_44 = tpu.memref_slice %arg10[%add3A_39, %dma_start3A_43] : memref<10240x128xf32, #tpu.memory_space<vmem_shared>> -> memref<128x128xf32, #tpu.memory_space<vmem_shared>>
    %dma_start3A_45 = arith.constant 0 : i32
    %dma_start3A_46 = tpu.memref_slice %arg10[%add3A_39, %dma_start3A_45] : memref<10240x128xf32, #tpu.memory_space<vmem_shared>> -> memref<128x128xf32, #tpu.memory_space<vmem_shared>>
    %dma_start3A_47 = arith.constant 0 : i32
    %dma_start3A_48 = arith.constant 0 : i32
    %dma_start3A_49 = tpu.memref_slice %arg8[%dma_start3A_47, %dma_start3A_48] : memref<128x128xf32, #tpu.memory_space<vmem>> -> memref<128x128xf32, #tpu.memory_space<vmem>>
    tpu.enqueue_dma source(%dma_start3A_49 : memref<128x128xf32, #tpu.memory_space<vmem>>) target(%dma_start3A_46 : memref<128x128xf32, #tpu.memory_space<vmem_shared>>) target_semaphore(%arg13 : memref<!tpu.dma_semaphore, #tpu.memory_space<semaphore_mem>>)
    %add3A_50 = arith.constant 512 : i32
    %add3A_51 = arith.addi %mul3A_2, %add3A_50 : i32
    %dma_start3A_52 = arith.constant 0 : i32
    %dma_start3A_53 = arith.constant 0 : i32
    %dma_start3A_54 = tpu.memref_slice %arg8[%dma_start3A_52, %dma_start3A_53] : memref<128x128xf32, #tpu.memory_space<vmem>> -> memref<128x128xf32, #tpu.memory_space<vmem>>
    %dma_start3A_55 = arith.constant 0 : i32
    %dma_start3A_56 = tpu.memref_slice %arg10[%add3A_51, %dma_start3A_55] : memref<10240x128xf32, #tpu.memory_space<vmem_shared>> -> memref<128x128xf32, #tpu.memory_space<vmem_shared>>
    %dma_start3A_57 = arith.constant 0 : i32
    %dma_start3A_58 = tpu.memref_slice %arg10[%add3A_51, %dma_start3A_57] : memref<10240x128xf32, #tpu.memory_space<vmem_shared>> -> memref<128x128xf32, #tpu.memory_space<vmem_shared>>
    %dma_start3A_59 = arith.constant 0 : i32
    %dma_start3A_60 = arith.constant 0 : i32
    %dma_start3A_61 = tpu.memref_slice %arg8[%dma_start3A_59, %dma_start3A_60] : memref<128x128xf32, #tpu.memory_space<vmem>> -> memref<128x128xf32, #tpu.memory_space<vmem>>
    tpu.enqueue_dma source(%dma_start3A_61 : memref<128x128xf32, #tpu.memory_space<vmem>>) target(%dma_start3A_58 : memref<128x128xf32, #tpu.memory_space<vmem_shared>>) target_semaphore(%arg13 : memref<!tpu.dma_semaphore, #tpu.memory_space<semaphore_mem>>)
    %add3A_62 = arith.constant 0 : i32
    %add3A_63 = arith.addi %mul3A_2, %add3A_62 : i32
    %dma_wait3A = arith.constant 0 : i32
    %dma_wait3A_64 = arith.constant 0 : i32
    %dma_wait3A_65 = tpu.memref_slice %arg8[%dma_wait3A, %dma_wait3A_64] : memref<128x128xf32, #tpu.memory_space<vmem>> -> memref<128x128xf32, #tpu.memory_space<vmem>>
    %dma_wait3A_66 = arith.constant 0 : i32
    %dma_wait3A_67 = tpu.memref_slice %arg10[%add3A_63, %dma_wait3A_66] : memref<10240x128xf32, #tpu.memory_space<vmem_shared>> -> memref<128x128xf32, #tpu.memory_space<vmem_shared>>
    %dma_wait3A_68 = arith.constant 0 : i32
    %dma_wait3A_69 = tpu.memref_slice %arg10[%add3A_63, %dma_wait3A_68] : memref<10240x128xf32, #tpu.memory_space<vmem_shared>> -> memref<128x128xf32, #tpu.memory_space<vmem_shared>>
    %dma_wait3A_70 = arith.constant 0 : i32
    %dma_wait3A_71 = arith.constant 0 : i32
    %dma_wait3A_72 = tpu.memref_slice %arg8[%dma_wait3A_70, %dma_wait3A_71] : memref<128x128xf32, #tpu.memory_space<vmem>> -> memref<128x128xf32, #tpu.memory_space<vmem>>
    tpu.wait_dma2 semaphore(%arg13 : memref<!tpu.dma_semaphore, #tpu.memory_space<semaphore_mem>>) src(%dma_wait3A_72 : memref<128x128xf32, #tpu.memory_space<vmem>>) dst(%dma_wait3A_69 : memref<128x128xf32, #tpu.memory_space<vmem_shared>>)
    %add3A_73 = arith.constant 128 : i32
    %add3A_74 = arith.addi %mul3A_2, %add3A_73 : i32
    %dma_wait3A_75 = arith.constant 0 : i32
    %dma_wait3A_76 = arith.constant 0 : i32
    %dma_wait3A_77 = tpu.memref_slice %arg8[%dma_wait3A_75, %dma_wait3A_76] : memref<128x128xf32, #tpu.memory_space<vmem>> -> memref<128x128xf32, #tpu.memory_space<vmem>>
    %dma_wait3A_78 = arith.constant 0 : i32
    %dma_wait3A_79 = tpu.memref_slice %arg10[%add3A_74, %dma_wait3A_78] : memref<10240x128xf32, #tpu.memory_space<vmem_shared>> -> memref<128x128xf32, #tpu.memory_space<vmem_shared>>
    %dma_wait3A_80 = arith.constant 0 : i32
    %dma_wait3A_81 = tpu.memref_slice %arg10[%add3A_74, %dma_wait3A_80] : memref<10240x128xf32, #tpu.memory_space<vmem_shared>> -> memref<128x128xf32, #tpu.memory_space<vmem_shared>>
    %dma_wait3A_82 = arith.constant 0 : i32
    %dma_wait3A_83 = arith.constant 0 : i32
    %dma_wait3A_84 = tpu.memref_slice %arg8[%dma_wait3A_82, %dma_wait3A_83] : memref<128x128xf32, #tpu.memory_space<vmem>> -> memref<128x128xf32, #tpu.memory_space<vmem>>
    tpu.wait_dma2 semaphore(%arg13 : memref<!tpu.dma_semaphore, #tpu.memory_space<semaphore_mem>>) src(%dma_wait3A_84 : memref<128x128xf32, #tpu.memory_space<vmem>>) dst(%dma_wait3A_81 : memref<128x128xf32, #tpu.memory_space<vmem_shared>>)
    %add3A_85 = arith.constant 256 : i32
    %add3A_86 = arith.addi %mul3A_2, %add3A_85 : i32
    %dma_wait3A_87 = arith.constant 0 : i32
    %dma_wait3A_88 = arith.constant 0 : i32
    %dma_wait3A_89 = tpu.memref_slice %arg8[%dma_wait3A_87, %dma_wait3A_88] : memref<128x128xf32, #tpu.memory_space<vmem>> -> memref<128x128xf32, #tpu.memory_space<vmem>>
    %dma_wait3A_90 = arith.constant 0 : i32
    %dma_wait3A_91 = tpu.memref_slice %arg10[%add3A_86, %dma_wait3A_90] : memref<10240x128xf32, #tpu.memory_space<vmem_shared>> -> memref<128x128xf32, #tpu.memory_space<vmem_shared>>
    %dma_wait3A_92 = arith.constant 0 : i32
    %dma_wait3A_93 = tpu.memref_slice %arg10[%add3A_86, %dma_wait3A_92] : memref<10240x128xf32, #tpu.memory_space<vmem_shared>> -> memref<128x128xf32, #tpu.memory_space<vmem_shared>>
    %dma_wait3A_94 = arith.constant 0 : i32
    %dma_wait3A_95 = arith.constant 0 : i32
    %dma_wait3A_96 = tpu.memref_slice %arg8[%dma_wait3A_94, %dma_wait3A_95] : memref<128x128xf32, #tpu.memory_space<vmem>> -> memref<128x128xf32, #tpu.memory_space<vmem>>
    tpu.wait_dma2 semaphore(%arg13 : memref<!tpu.dma_semaphore, #tpu.memory_space<semaphore_mem>>) src(%dma_wait3A_96 : memref<128x128xf32, #tpu.memory_space<vmem>>) dst(%dma_wait3A_93 : memref<128x128xf32, #tpu.memory_space<vmem_shared>>)
    %add3A_97 = arith.constant 384 : i32
    %add3A_98 = arith.addi %mul3A_2, %add3A_97 : i32
    %dma_wait3A_99 = arith.constant 0 : i32
    %dma_wait3A_100 = arith.constant 0 : i32
    %dma_wait3A_101 = tpu.memref_slice %arg8[%dma_wait3A_99, %dma_wait3A_100] : memref<128x128xf32, #tpu.memory_space<vmem>> -> memref<128x128xf32, #tpu.memory_space<vmem>>
    %dma_wait3A_102 = arith.constant 0 : i32
    %dma_wait3A_103 = tpu.memref_slice %arg10[%add3A_98, %dma_wait3A_102] : memref<10240x128xf32, #tpu.memory_space<vmem_shared>> -> memref<128x128xf32, #tpu.memory_space<vmem_shared>>
    %dma_wait3A_104 = arith.constant 0 : i32
    %dma_wait3A_105 = tpu.memref_slice %arg10[%add3A_98, %dma_wait3A_104] : memref<10240x128xf32, #tpu.memory_space<vmem_shared>> -> memref<128x128xf32, #tpu.memory_space<vmem_shared>>
    %dma_wait3A_106 = arith.constant 0 : i32
    %dma_wait3A_107 = arith.constant 0 : i32
    %dma_wait3A_108 = tpu.memref_slice %arg8[%dma_wait3A_106, %dma_wait3A_107] : memref<128x128xf32, #tpu.memory_space<vmem>> -> memref<128x128xf32, #tpu.memory_space<vmem>>
    tpu.wait_dma2 semaphore(%arg13 : memref<!tpu.dma_semaphore, #tpu.memory_space<semaphore_mem>>) src(%dma_wait3A_108 : memref<128x128xf32, #tpu.memory_space<vmem>>) dst(%dma_wait3A_105 : memref<128x128xf32, #tpu.memory_space<vmem_shared>>)
    %add3A_109 = arith.constant 512 : i32
    %add3A_110 = arith.addi %mul3A_2, %add3A_109 : i32
    %dma_wait3A_111 = arith.constant 0 : i32
    %dma_wait3A_112 = arith.constant 0 : i32
    %dma_wait3A_113 = tpu.memref_slice %arg8[%dma_wait3A_111, %dma_wait3A_112] : memref<128x128xf32, #tpu.memory_space<vmem>> -> memref<128x128xf32, #tpu.memory_space<vmem>>
    %dma_wait3A_114 = arith.constant 0 : i32
    %dma_wait3A_115 = tpu.memref_slice %arg10[%add3A_110, %dma_wait3A_114] : memref<10240x128xf32, #tpu.memory_space<vmem_shared>> -> memref<128x128xf32, #tpu.memory_space<vmem_shared>>
    %dma_wait3A_116 = arith.constant 0 : i32
    %dma_wait3A_117 = tpu.memref_slice %arg10[%add3A_110, %dma_wait3A_116] : memref<10240x128xf32, #tpu.memory_space<vmem_shared>> -> memref<128x128xf32, #tpu.memory_space<vmem_shared>>
    %dma_wait3A_118 = arith.constant 0 : i32
    %dma_wait3A_119 = arith.constant 0 : i32
    %dma_wait3A_120 = tpu.memref_slice %arg8[%dma_wait3A_118, %dma_wait3A_119] : memref<128x128xf32, #tpu.memory_space<vmem>> -> memref<128x128xf32, #tpu.memory_space<vmem>>
    tpu.wait_dma2 semaphore(%arg13 : memref<!tpu.dma_semaphore, #tpu.memory_space<semaphore_mem>>) src(%dma_wait3A_120 : memref<128x128xf32, #tpu.memory_space<vmem>>) dst(%dma_wait3A_117 : memref<128x128xf32, #tpu.memory_space<vmem_shared>>)
    %barrier3A = arith.constant 0 : index
    tpu.barrier barrier_id(%barrier3A)
    %scan3A = arith.constant 0 : i32
    %scan3A_121 = arith.constant 0 : i32
    %scan3A_122 = arith.constant 8 : i32
    %scan3A_123 = arith.addi %scan3A_121, %scan3A_122 : i32
    %scan3A_124 = arith.constant 1 : i32
    %scan3A_125 = scf.for %scan3A_304 = %scan3A_121 to %scan3A_123 step %scan3A_124 iter_args(%scan3A_305 = %scan3A) -> (i32)  : i32 {
      %mul3A_306 = arith.constant 16 : i32
      %mul3A_307 = arith.muli %scan3A_304, %mul3A_306 : i32
      %get3A = arith.constant 0 : i32
      %get3A_308 = arith.index_cast %get3A : i32 to index
      %get3A_309 = arith.index_cast %mul3A_307 : i32 to index
      %get3A_310 = tpu.vector_load %arg6[%get3A_308, %get3A_309] {strides = array<i32>} : memref<82x128xi32, #tpu.memory_space<vmem>>, vector<1x16xi32>,
      %get3A_311 = vector.shape_cast %get3A_310 : vector<1x16xi32> to vector<16xi32>
      %and3A = arith.constant 16383 : i32
      %and3A_312 = vector.broadcast %and3A : i32 to vector<16xi32>
      %and3A_313 = arith.andi %get3A_311, %and3A_312 : vector<16xi32>
      %mul3A_314 = arith.constant 16 : i32
      %mul3A_315 = arith.muli %scan3A_304, %mul3A_314 : i32
      %swap3A = arith.constant 0 : i32
      %swap3A_316 = arith.constant 0 : i32
      %swap3A_317 = arith.index_cast %swap3A : i32 to index
      %swap3A_318 = arith.index_cast %swap3A_316 : i32 to index
      %swap3A_319 = arith.index_cast %mul3A_315 : i32 to index
      %swap3A_320 = tpu.vector_load %arg7[%swap3A_317, %swap3A_318, %swap3A_319] {strides = array<i32>} : memref<4x2x128xi32, #tpu.memory_space<vmem>>, vector<1x1x16xi32>,
      %swap3A_321 = vector.shape_cast %swap3A_320 : vector<1x1x16xi32> to vector<16xi32>
      %swap3A_322 = vector.shape_cast %and3A_313 : vector<16xi32> to vector<1x1x16xi32>
      tpu.vector_store %arg7[%swap3A_317, %swap3A_318, %swap3A_319], %swap3A_322 {strides = array<i32>} : memref<4x2x128xi32, #tpu.memory_space<vmem>>, vector<1x1x16xi32>,
      %shift_right_logical3A = arith.constant 14 : i32
      %shift_right_logical3A_323 = vector.broadcast %shift_right_logical3A : i32 to vector<16xi32>
      %shift_right_logical3A_324 = arith.shrui %get3A_311, %shift_right_logical3A_323 : vector<16xi32>
      %mul3A_325 = arith.constant 16 : i32
      %mul3A_326 = arith.muli %scan3A_304, %mul3A_325 : i32
      %swap3A_327 = arith.constant 0 : i32
      %swap3A_328 = arith.constant 1 : i32
      %swap3A_329 = arith.index_cast %swap3A_327 : i32 to index
      %swap3A_330 = arith.index_cast %swap3A_328 : i32 to index
      %swap3A_331 = arith.index_cast %mul3A_326 : i32 to index
      %swap3A_332 = tpu.vector_load %arg7[%swap3A_329, %swap3A_330, %swap3A_331] {strides = array<i32>} : memref<4x2x128xi32, #tpu.memory_space<vmem>>, vector<1x1x16xi32>,
      %swap3A_333 = vector.shape_cast %swap3A_332 : vector<1x1x16xi32> to vector<16xi32>
      %swap3A_334 = vector.shape_cast %shift_right_logical3A_324 : vector<16xi32> to vector<1x1x16xi32>
      tpu.vector_store %arg7[%swap3A_329, %swap3A_330, %swap3A_331], %swap3A_334 {strides = array<i32>} : memref<4x2x128xi32, #tpu.memory_space<vmem>>, vector<1x1x16xi32>,
      %scan3A_335 = arith.constant 0 : i32
      scf.yield %scan3A_335 : i32
    }
    %scan3A_126 = arith.constant 8 : i32
    %dma_start3A_127 = arith.constant 0 : i32
    %dma_start3A_128 = arith.constant 0 : i32
    %dma_start3A_129 = arith.constant 0 : i32
    %dma_start3A_130 = tpu.memref_slice %arg7[%dma_start3A_127, %dma_start3A_128, %dma_start3A_129] : memref<4x2x128xi32, #tpu.memory_space<vmem>> -> memref<1x1x128xi32, #tpu.memory_space<vmem>>
    %dma_start3A_131 = tpu.memref_squeeze %dma_start3A_130 : memref<1x1x128xi32, #tpu.memory_space<vmem>> -> memref<128xi32, #tpu.memory_space<vmem>>
    %dma_start3A_132 = arith.constant 0 : i32
    %dma_start3A_133 = arith.constant 0 : i32
    %dma_start3A_134 = tpu.memref_slice %arg4[%dma_start3A_132, %dma_start3A_133] : memref<10240x128xf32, #tpu.memory_space<hbm>> -> memref<10240x128xf32, #tpu.memory_space<hbm>>
    tpu.enqueue_indirect_dma source(%dma_start3A_134 : memref<10240x128xf32, #tpu.memory_space<hbm>>) target(%arg8 : memref<128x128xf32, #tpu.memory_space<vmem>>) offsets(%dma_start3A_131 : memref<128xi32, #tpu.memory_space<vmem>>) semaphore(%arg11 : memref<!tpu.dma_semaphore, #tpu.memory_space<semaphore_mem>>)
    %scan3A_135 = arith.constant 0 : i32
    %scan3A_136 = arith.constant 0 : i32
    %scan3A_137 = arith.constant 20 : i32
    %scan3A_138 = arith.addi %scan3A_136, %scan3A_137 : i32
    %scan3A_139 = arith.constant 1 : i32
    %scan3A_140 = scf.for %scan3A_304 = %scan3A_136 to %scan3A_138 step %scan3A_139 iter_args(%scan3A_305 = %scan3A_135) -> (i32)  : i32 {
      %mul3A_306 = arith.constant 4 : i32
      %mul3A_307 = arith.muli %mul3A_306, %scan3A_304 : i32
      %add3A_308 = arith.constant 1 : i32
      %add3A_309 = arith.addi %mul3A_307, %add3A_308 : i32
      %lt3A = arith.constant 82 : i32
      %lt3A_310 = arith.cmpi slt, %add3A_309, %lt3A : i32
      %convert_element_type3A = arith.extui %lt3A_310 : i1 to i32
      %cond3A = arith.constant 0 : i32
      %cond3A_311 = arith.cmpi ne, %convert_element_type3A, %cond3A : i32
      scf.if %cond3A_311 {
        %add3A_451 = arith.constant 1 : i32
        %add3A_452 = arith.addi %mul3A_307, %add3A_451 : i32
        %scan3A_453 = arith.constant 0 : i32
        %scan3A_454 = arith.constant 0 : i32
        %scan3A_455 = arith.constant 8 : i32
        %scan3A_456 = arith.addi %scan3A_454, %scan3A_455 : i32
        %scan3A_457 = arith.constant 1 : i32
        %scan3A_458 = scf.for %scan3A_460 = %scan3A_454 to %scan3A_456 step %scan3A_457 iter_args(%scan3A_461 = %scan3A_453) -> (i32)  : i32 {
          %mul3A_462 = arith.constant 16 : i32
          %mul3A_463 = arith.muli %scan3A_460, %mul3A_462 : i32
          %get3A = arith.index_cast %add3A_452 : i32 to index
          %get3A_464 = arith.index_cast %mul3A_463 : i32 to index
          %get3A_465 = tpu.vector_load %arg6[%get3A, %get3A_464] {strides = array<i32>} : memref<82x128xi32, #tpu.memory_space<vmem>>, vector<1x16xi32>,
          %get3A_466 = vector.shape_cast %get3A_465 : vector<1x16xi32> to vector<16xi32>
          %and3A = arith.constant 16383 : i32
          %and3A_467 = vector.broadcast %and3A : i32 to vector<16xi32>
          %and3A_468 = arith.andi %get3A_466, %and3A_467 : vector<16xi32>
          %mul3A_469 = arith.constant 16 : i32
          %mul3A_470 = arith.muli %scan3A_460, %mul3A_469 : i32
          %swap3A = arith.constant 1 : i32
          %swap3A_471 = arith.constant 0 : i32
          %swap3A_472 = arith.index_cast %swap3A : i32 to index
          %swap3A_473 = arith.index_cast %swap3A_471 : i32 to index
          %swap3A_474 = arith.index_cast %mul3A_470 : i32 to index
          %swap3A_475 = tpu.vector_load %arg7[%swap3A_472, %swap3A_473, %swap3A_474] {strides = array<i32>} : memref<4x2x128xi32, #tpu.memory_space<vmem>>, vector<1x1x16xi32>,
          %swap3A_476 = vector.shape_cast %swap3A_475 : vector<1x1x16xi32> to vector<16xi32>
          %swap3A_477 = vector.shape_cast %and3A_468 : vector<16xi32> to vector<1x1x16xi32>
          tpu.vector_store %arg7[%swap3A_472, %swap3A_473, %swap3A_474], %swap3A_477 {strides = array<i32>} : memref<4x2x128xi32, #tpu.memory_space<vmem>>, vector<1x1x16xi32>,
          %shift_right_logical3A = arith.constant 14 : i32
          %shift_right_logical3A_478 = vector.broadcast %shift_right_logical3A : i32 to vector<16xi32>
          %shift_right_logical3A_479 = arith.shrui %get3A_466, %shift_right_logical3A_478 : vector<16xi32>
          %mul3A_480 = arith.constant 16 : i32
          %mul3A_481 = arith.muli %scan3A_460, %mul3A_480 : i32
          %swap3A_482 = arith.constant 1 : i32
          %swap3A_483 = arith.constant 1 : i32
          %swap3A_484 = arith.index_cast %swap3A_482 : i32 to index
          %swap3A_485 = arith.index_cast %swap3A_483 : i32 to index
          %swap3A_486 = arith.index_cast %mul3A_481 : i32 to index
          %swap3A_487 = tpu.vector_load %arg7[%swap3A_484, %swap3A_485, %swap3A_486] {strides = array<i32>} : memref<4x2x128xi32, #tpu.memory_space<vmem>>, vector<1x1x16xi32>,
          %swap3A_488 = vector.shape_cast %swap3A_487 : vector<1x1x16xi32> to vector<16xi32>
          %swap3A_489 = vector.shape_cast %shift_right_logical3A_479 : vector<16xi32> to vector<1x1x16xi32>
          tpu.vector_store %arg7[%swap3A_484, %swap3A_485, %swap3A_486], %swap3A_489 {strides = array<i32>} : memref<4x2x128xi32, #tpu.memory_space<vmem>>, vector<1x1x16xi32>,
          %scan3A_490 = arith.constant 0 : i32
          scf.yield %scan3A_490 : i32
        }
        %scan3A_459 = arith.constant 8 : i32
      } else {
      }
      %ge3A = arith.constant 1 : i32
      %ge3A_312 = arith.cmpi sge, %mul3A_307, %ge3A : i32
      %convert_element_type3A_313 = arith.extui %ge3A_312 : i1 to i32
      %cond3A_314 = arith.constant 0 : i32
      %cond3A_315 = arith.cmpi ne, %convert_element_type3A_313, %cond3A_314 : i32
      scf.if %cond3A_315 {
        %dma_wait3A_451 = arith.constant 3 : i32
        %dma_wait3A_452 = arith.constant 1 : i32
        %dma_wait3A_453 = arith.constant 0 : i32
        %dma_wait3A_454 = tpu.memref_slice %arg7[%dma_wait3A_451, %dma_wait3A_452, %dma_wait3A_453] : memref<4x2x128xi32, #tpu.memory_space<vmem>> -> memref<1x1x128xi32, #tpu.memory_space<vmem>>
        %dma_wait3A_455 = tpu.memref_squeeze %dma_wait3A_454 : memref<1x1x128xi32, #tpu.memory_space<vmem>> -> memref<128xi32, #tpu.memory_space<vmem>>
        %dma_wait3A_456 = arith.constant 0 : i32
        %dma_wait3A_457 = arith.constant 0 : i32
        %dma_wait3A_458 = tpu.memref_slice %arg10[%dma_wait3A_456, %dma_wait3A_457] : memref<10240x128xf32, #tpu.memory_space<vmem_shared>> -> memref<10240x128xf32, #tpu.memory_space<vmem_shared>>
        tpu.wait_indirect_dma semaphore(%arg14 : memref<!tpu.dma_semaphore, #tpu.memory_space<semaphore_mem>>) src(%arg9 : memref<128x128xf32, #tpu.memory_space<vmem>>) dst(%dma_wait3A_458 : memref<10240x128xf32, #tpu.memory_space<vmem_shared>>)
      } else {
      }
      %add3A_316 = arith.constant 1 : i32
      %add3A_317 = arith.addi %mul3A_307, %add3A_316 : i32
      %lt3A_318 = arith.constant 82 : i32
      %lt3A_319 = arith.cmpi slt, %add3A_317, %lt3A_318 : i32
      %convert_element_type3A_320 = arith.extui %lt3A_319 : i1 to i32
      %cond3A_321 = arith.constant 0 : i32
      %cond3A_322 = arith.cmpi ne, %convert_element_type3A_320, %cond3A_321 : i32
      scf.if %cond3A_322 {
        %dma_start3A_451 = arith.constant 1 : i32
        %dma_start3A_452 = arith.constant 0 : i32
        %dma_start3A_453 = arith.constant 0 : i32
        %dma_start3A_454 = tpu.memref_slice %arg7[%dma_start3A_451, %dma_start3A_452, %dma_start3A_453] : memref<4x2x128xi32, #tpu.memory_space<vmem>> -> memref<1x1x128xi32, #tpu.memory_space<vmem>>
        %dma_start3A_455 = tpu.memref_squeeze %dma_start3A_454 : memref<1x1x128xi32, #tpu.memory_space<vmem>> -> memref<128xi32, #tpu.memory_space<vmem>>
        %dma_start3A_456 = arith.constant 0 : i32
        %dma_start3A_457 = arith.constant 0 : i32
        %dma_start3A_458 = tpu.memref_slice %arg4[%dma_start3A_456, %dma_start3A_457] : memref<10240x128xf32, #tpu.memory_space<hbm>> -> memref<10240x128xf32, #tpu.memory_space<hbm>>
        tpu.enqueue_indirect_dma source(%dma_start3A_458 : memref<10240x128xf32, #tpu.memory_space<hbm>>) target(%arg9 : memref<128x128xf32, #tpu.memory_space<vmem>>) offsets(%dma_start3A_455 : memref<128xi32, #tpu.memory_space<vmem>>) semaphore(%arg12 : memref<!tpu.dma_semaphore, #tpu.memory_space<semaphore_mem>>)
      } else {
      }
      %dma_wait3A_323 = arith.constant 0 : i32
      %dma_wait3A_324 = arith.constant 0 : i32
      %dma_wait3A_325 = arith.constant 0 : i32
      %dma_wait3A_326 = tpu.memref_slice %arg7[%dma_wait3A_323, %dma_wait3A_324, %dma_wait3A_325] : memref<4x2x128xi32, #tpu.memory_space<vmem>> -> memref<1x1x128xi32, #tpu.memory_space<vmem>>
      %dma_wait3A_327 = tpu.memref_squeeze %dma_wait3A_326 : memref<1x1x128xi32, #tpu.memory_space<vmem>> -> memref<128xi32, #tpu.memory_space<vmem>>
      %dma_wait3A_328 = arith.constant 0 : i32
      %dma_wait3A_329 = arith.constant 0 : i32
      %dma_wait3A_330 = tpu.memref_slice %arg4[%dma_wait3A_328, %dma_wait3A_329] : memref<10240x128xf32, #tpu.memory_space<hbm>> -> memref<10240x128xf32, #tpu.memory_space<hbm>>
      tpu.wait_indirect_dma semaphore(%arg11 : memref<!tpu.dma_semaphore, #tpu.memory_space<semaphore_mem>>) src(%dma_wait3A_330 : memref<10240x128xf32, #tpu.memory_space<hbm>>) dst(%arg8 : memref<128x128xf32, #tpu.memory_space<vmem>>)
      %dma_start3A_331 = arith.constant 0 : i32
      %dma_start3A_332 = arith.constant 1 : i32
      %dma_start3A_333 = arith.constant 0 : i32
      %dma_start3A_334 = tpu.memref_slice %arg7[%dma_start3A_331, %dma_start3A_332, %dma_start3A_333] : memref<4x2x128xi32, #tpu.memory_space<vmem>> -> memref<1x1x128xi32, #tpu.memory_space<vmem>>
      %dma_start3A_335 = tpu.memref_squeeze %dma_start3A_334 : memref<1x1x128xi32, #tpu.memory_space<vmem>> -> memref<128xi32, #tpu.memory_space<vmem>>
      %dma_start3A_336 = arith.constant 0 : i32
      %dma_start3A_337 = arith.constant 0 : i32
      %dma_start3A_338 = tpu.memref_slice %arg10[%dma_start3A_336, %dma_start3A_337] : memref<10240x128xf32, #tpu.memory_space<vmem_shared>> -> memref<10240x128xf32, #tpu.memory_space<vmem_shared>>
      tpu.enqueue_indirect_dma source(%arg8 : memref<128x128xf32, #tpu.memory_space<vmem>>) target(%dma_start3A_338 : memref<10240x128xf32, #tpu.memory_space<vmem_shared>>) offsets(%dma_start3A_335 : memref<128xi32, #tpu.memory_space<vmem>>) semaphore(%arg13 : memref<!tpu.dma_semaphore, #tpu.memory_space<semaphore_mem>>) {add = true}
      %add3A_339 = arith.constant 1 : i32
      %add3A_340 = arith.addi %mul3A_307, %add3A_339 : i32
      %add3A_341 = arith.constant 1 : i32
      %add3A_342 = arith.addi %add3A_340, %add3A_341 : i32
      %lt3A_343 = arith.constant 82 : i32
      %lt3A_344 = arith.cmpi slt, %add3A_342, %lt3A_343 : i32
      %convert_element_type3A_345 = arith.extui %lt3A_344 : i1 to i32
      %cond3A_346 = arith.constant 0 : i32
      %cond3A_347 = arith.cmpi ne, %convert_element_type3A_345, %cond3A_346 : i32
      scf.if %cond3A_347 {
        %add3A_451 = arith.constant 1 : i32
        %add3A_452 = arith.addi %add3A_340, %add3A_451 : i32
        %scan3A_453 = arith.constant 0 : i32
        %scan3A_454 = arith.constant 0 : i32
        %scan3A_455 = arith.constant 8 : i32
        %scan3A_456 = arith.addi %scan3A_454, %scan3A_455 : i32
        %scan3A_457 = arith.constant 1 : i32
        %scan3A_458 = scf.for %scan3A_460 = %scan3A_454 to %scan3A_456 step %scan3A_457 iter_args(%scan3A_461 = %scan3A_453) -> (i32)  : i32 {
          %mul3A_462 = arith.constant 16 : i32
          %mul3A_463 = arith.muli %scan3A_460, %mul3A_462 : i32
          %get3A = arith.index_cast %add3A_452 : i32 to index
          %get3A_464 = arith.index_cast %mul3A_463 : i32 to index
          %get3A_465 = tpu.vector_load %arg6[%get3A, %get3A_464] {strides = array<i32>} : memref<82x128xi32, #tpu.memory_space<vmem>>, vector<1x16xi32>,
          %get3A_466 = vector.shape_cast %get3A_465 : vector<1x16xi32> to vector<16xi32>
          %and3A = arith.constant 16383 : i32
          %and3A_467 = vector.broadcast %and3A : i32 to vector<16xi32>
          %and3A_468 = arith.andi %get3A_466, %and3A_467 : vector<16xi32>
          %mul3A_469 = arith.constant 16 : i32
          %mul3A_470 = arith.muli %scan3A_460, %mul3A_469 : i32
          %swap3A = arith.constant 2 : i32
          %swap3A_471 = arith.constant 0 : i32
          %swap3A_472 = arith.index_cast %swap3A : i32 to index
          %swap3A_473 = arith.index_cast %swap3A_471 : i32 to index
          %swap3A_474 = arith.index_cast %mul3A_470 : i32 to index
          %swap3A_475 = tpu.vector_load %arg7[%swap3A_472, %swap3A_473, %swap3A_474] {strides = array<i32>} : memref<4x2x128xi32, #tpu.memory_space<vmem>>, vector<1x1x16xi32>,
          %swap3A_476 = vector.shape_cast %swap3A_475 : vector<1x1x16xi32> to vector<16xi32>
          %swap3A_477 = vector.shape_cast %and3A_468 : vector<16xi32> to vector<1x1x16xi32>
          tpu.vector_store %arg7[%swap3A_472, %swap3A_473, %swap3A_474], %swap3A_477 {strides = array<i32>} : memref<4x2x128xi32, #tpu.memory_space<vmem>>, vector<1x1x16xi32>,
          %shift_right_logical3A = arith.constant 14 : i32
          %shift_right_logical3A_478 = vector.broadcast %shift_right_logical3A : i32 to vector<16xi32>
          %shift_right_logical3A_479 = arith.shrui %get3A_466, %shift_right_logical3A_478 : vector<16xi32>
          %mul3A_480 = arith.constant 16 : i32
          %mul3A_481 = arith.muli %scan3A_460, %mul3A_480 : i32
          %swap3A_482 = arith.constant 2 : i32
          %swap3A_483 = arith.constant 1 : i32
          %swap3A_484 = arith.index_cast %swap3A_482 : i32 to index
          %swap3A_485 = arith.index_cast %swap3A_483 : i32 to index
          %swap3A_486 = arith.index_cast %mul3A_481 : i32 to index
          %swap3A_487 = tpu.vector_load %arg7[%swap3A_484, %swap3A_485, %swap3A_486] {strides = array<i32>} : memref<4x2x128xi32, #tpu.memory_space<vmem>>, vector<1x1x16xi32>,
          %swap3A_488 = vector.shape_cast %swap3A_487 : vector<1x1x16xi32> to vector<16xi32>
          %swap3A_489 = vector.shape_cast %shift_right_logical3A_479 : vector<16xi32> to vector<1x1x16xi32>
          tpu.vector_store %arg7[%swap3A_484, %swap3A_485, %swap3A_486], %swap3A_489 {strides = array<i32>} : memref<4x2x128xi32, #tpu.memory_space<vmem>>, vector<1x1x16xi32>,
          %scan3A_490 = arith.constant 0 : i32
          scf.yield %scan3A_490 : i32
        }
        %scan3A_459 = arith.constant 8 : i32
      } else {
      }
      %ge3A_348 = arith.constant 1 : i32
      %ge3A_349 = arith.cmpi sge, %add3A_340, %ge3A_348 : i32
      %convert_element_type3A_350 = arith.extui %ge3A_349 : i1 to i32
      %cond3A_351 = arith.constant 0 : i32
      %cond3A_352 = arith.cmpi ne, %convert_element_type3A_350, %cond3A_351 : i32
      scf.if %cond3A_352 {
        %dma_wait3A_451 = arith.constant 0 : i32
        %dma_wait3A_452 = arith.constant 1 : i32
        %dma_wait3A_453 = arith.constant 0 : i32
        %dma_wait3A_454 = tpu.memref_slice %arg7[%dma_wait3A_451, %dma_wait3A_452, %dma_wait3A_453] : memref<4x2x128xi32, #tpu.memory_space<vmem>> -> memref<1x1x128xi32, #tpu.memory_space<vmem>>
        %dma_wait3A_455 = tpu.memref_squeeze %dma_wait3A_454 : memref<1x1x128xi32, #tpu.memory_space<vmem>> -> memref<128xi32, #tpu.memory_space<vmem>>
        %dma_wait3A_456 = arith.constant 0 : i32
        %dma_wait3A_457 = arith.constant 0 : i32
        %dma_wait3A_458 = tpu.memref_slice %arg10[%dma_wait3A_456, %dma_wait3A_457] : memref<10240x128xf32, #tpu.memory_space<vmem_shared>> -> memref<10240x128xf32, #tpu.memory_space<vmem_shared>>
        tpu.wait_indirect_dma semaphore(%arg13 : memref<!tpu.dma_semaphore, #tpu.memory_space<semaphore_mem>>) src(%arg8 : memref<128x128xf32, #tpu.memory_space<vmem>>) dst(%dma_wait3A_458 : memref<10240x128xf32, #tpu.memory_space<vmem_shared>>)
      } else {
      }
      %add3A_353 = arith.constant 1 : i32
      %add3A_354 = arith.addi %add3A_340, %add3A_353 : i32
      %lt3A_355 = arith.constant 82 : i32
      %lt3A_356 = arith.cmpi slt, %add3A_354, %lt3A_355 : i32
      %convert_element_type3A_357 = arith.extui %lt3A_356 : i1 to i32
      %cond3A_358 = arith.constant 0 : i32
      %cond3A_359 = arith.cmpi ne, %convert_element_type3A_357, %cond3A_358 : i32
      scf.if %cond3A_359 {
        %dma_start3A_451 = arith.constant 2 : i32
        %dma_start3A_452 = arith.constant 0 : i32
        %dma_start3A_453 = arith.constant 0 : i32
        %dma_start3A_454 = tpu.memref_slice %arg7[%dma_start3A_451, %dma_start3A_452, %dma_start3A_453] : memref<4x2x128xi32, #tpu.memory_space<vmem>> -> memref<1x1x128xi32, #tpu.memory_space<vmem>>
        %dma_start3A_455 = tpu.memref_squeeze %dma_start3A_454 : memref<1x1x128xi32, #tpu.memory_space<vmem>> -> memref<128xi32, #tpu.memory_space<vmem>>
        %dma_start3A_456 = arith.constant 0 : i32
        %dma_start3A_457 = arith.constant 0 : i32
        %dma_start3A_458 = tpu.memref_slice %arg4[%dma_start3A_456, %dma_start3A_457] : memref<10240x128xf32, #tpu.memory_space<hbm>> -> memref<10240x128xf32, #tpu.memory_space<hbm>>
        tpu.enqueue_indirect_dma source(%dma_start3A_458 : memref<10240x128xf32, #tpu.memory_space<hbm>>) target(%arg8 : memref<128x128xf32, #tpu.memory_space<vmem>>) offsets(%dma_start3A_455 : memref<128xi32, #tpu.memory_space<vmem>>) semaphore(%arg11 : memref<!tpu.dma_semaphore, #tpu.memory_space<semaphore_mem>>)
      } else {
      }
      %dma_wait3A_360 = arith.constant 1 : i32
      %dma_wait3A_361 = arith.constant 0 : i32
      %dma_wait3A_362 = arith.constant 0 : i32
      %dma_wait3A_363 = tpu.memref_slice %arg7[%dma_wait3A_360, %dma_wait3A_361, %dma_wait3A_362] : memref<4x2x128xi32, #tpu.memory_space<vmem>> -> memref<1x1x128xi32, #tpu.memory_space<vmem>>
      %dma_wait3A_364 = tpu.memref_squeeze %dma_wait3A_363 : memref<1x1x128xi32, #tpu.memory_space<vmem>> -> memref<128xi32, #tpu.memory_space<vmem>>
      %dma_wait3A_365 = arith.constant 0 : i32
      %dma_wait3A_366 = arith.constant 0 : i32
      %dma_wait3A_367 = tpu.memref_slice %arg4[%dma_wait3A_365, %dma_wait3A_366] : memref<10240x128xf32, #tpu.memory_space<hbm>> -> memref<10240x128xf32, #tpu.memory_space<hbm>>
      tpu.wait_indirect_dma semaphore(%arg12 : memref<!tpu.dma_semaphore, #tpu.memory_space<semaphore_mem>>) src(%dma_wait3A_367 : memref<10240x128xf32, #tpu.memory_space<hbm>>) dst(%arg9 : memref<128x128xf32, #tpu.memory_space<vmem>>)
      %dma_start3A_368 = arith.constant 1 : i32
      %dma_start3A_369 = arith.constant 1 : i32
      %dma_start3A_370 = arith.constant 0 : i32
      %dma_start3A_371 = tpu.memref_slice %arg7[%dma_start3A_368, %dma_start3A_369, %dma_start3A_370] : memref<4x2x128xi32, #tpu.memory_space<vmem>> -> memref<1x1x128xi32, #tpu.memory_space<vmem>>
      %dma_start3A_372 = tpu.memref_squeeze %dma_start3A_371 : memref<1x1x128xi32, #tpu.memory_space<vmem>> -> memref<128xi32, #tpu.memory_space<vmem>>
      %dma_start3A_373 = arith.constant 0 : i32
      %dma_start3A_374 = arith.constant 0 : i32
      %dma_start3A_375 = tpu.memref_slice %arg10[%dma_start3A_373, %dma_start3A_374] : memref<10240x128xf32, #tpu.memory_space<vmem_shared>> -> memref<10240x128xf32, #tpu.memory_space<vmem_shared>>
      tpu.enqueue_indirect_dma source(%arg9 : memref<128x128xf32, #tpu.memory_space<vmem>>) target(%dma_start3A_375 : memref<10240x128xf32, #tpu.memory_space<vmem_shared>>) offsets(%dma_start3A_372 : memref<128xi32, #tpu.memory_space<vmem>>) semaphore(%arg14 : memref<!tpu.dma_semaphore, #tpu.memory_space<semaphore_mem>>) {add = true}
      %add3A_376 = arith.constant 2 : i32
      %add3A_377 = arith.addi %mul3A_307, %add3A_376 : i32
      %add3A_378 = arith.constant 1 : i32
      %add3A_379 = arith.addi %add3A_377, %add3A_378 : i32
      %lt3A_380 = arith.constant 82 : i32
      %lt3A_381 = arith.cmpi slt, %add3A_379, %lt3A_380 : i32
      %convert_element_type3A_382 = arith.extui %lt3A_381 : i1 to i32
      %cond3A_383 = arith.constant 0 : i32
      %cond3A_384 = arith.cmpi ne, %convert_element_type3A_382, %cond3A_383 : i32
      scf.if %cond3A_384 {
        %add3A_451 = arith.constant 1 : i32
        %add3A_452 = arith.addi %add3A_377, %add3A_451 : i32
        %scan3A_453 = arith.constant 0 : i32
        %scan3A_454 = arith.constant 0 : i32
        %scan3A_455 = arith.constant 8 : i32
        %scan3A_456 = arith.addi %scan3A_454, %scan3A_455 : i32
        %scan3A_457 = arith.constant 1 : i32
        %scan3A_458 = scf.for %scan3A_460 = %scan3A_454 to %scan3A_456 step %scan3A_457 iter_args(%scan3A_461 = %scan3A_453) -> (i32)  : i32 {
          %mul3A_462 = arith.constant 16 : i32
          %mul3A_463 = arith.muli %scan3A_460, %mul3A_462 : i32
          %get3A = arith.index_cast %add3A_452 : i32 to index
          %get3A_464 = arith.index_cast %mul3A_463 : i32 to index
          %get3A_465 = tpu.vector_load %arg6[%get3A, %get3A_464] {strides = array<i32>} : memref<82x128xi32, #tpu.memory_space<vmem>>, vector<1x16xi32>,
          %get3A_466 = vector.shape_cast %get3A_465 : vector<1x16xi32> to vector<16xi32>
          %and3A = arith.constant 16383 : i32
          %and3A_467 = vector.broadcast %and3A : i32 to vector<16xi32>
          %and3A_468 = arith.andi %get3A_466, %and3A_467 : vector<16xi32>
          %mul3A_469 = arith.constant 16 : i32
          %mul3A_470 = arith.muli %scan3A_460, %mul3A_469 : i32
          %swap3A = arith.constant 3 : i32
          %swap3A_471 = arith.constant 0 : i32
          %swap3A_472 = arith.index_cast %swap3A : i32 to index
          %swap3A_473 = arith.index_cast %swap3A_471 : i32 to index
          %swap3A_474 = arith.index_cast %mul3A_470 : i32 to index
          %swap3A_475 = tpu.vector_load %arg7[%swap3A_472, %swap3A_473, %swap3A_474] {strides = array<i32>} : memref<4x2x128xi32, #tpu.memory_space<vmem>>, vector<1x1x16xi32>,
          %swap3A_476 = vector.shape_cast %swap3A_475 : vector<1x1x16xi32> to vector<16xi32>
          %swap3A_477 = vector.shape_cast %and3A_468 : vector<16xi32> to vector<1x1x16xi32>
          tpu.vector_store %arg7[%swap3A_472, %swap3A_473, %swap3A_474], %swap3A_477 {strides = array<i32>} : memref<4x2x128xi32, #tpu.memory_space<vmem>>, vector<1x1x16xi32>,
          %shift_right_logical3A = arith.constant 14 : i32
          %shift_right_logical3A_478 = vector.broadcast %shift_right_logical3A : i32 to vector<16xi32>
          %shift_right_logical3A_479 = arith.shrui %get3A_466, %shift_right_logical3A_478 : vector<16xi32>
          %mul3A_480 = arith.constant 16 : i32
          %mul3A_481 = arith.muli %scan3A_460, %mul3A_480 : i32
          %swap3A_482 = arith.constant 3 : i32
          %swap3A_483 = arith.constant 1 : i32
          %swap3A_484 = arith.index_cast %swap3A_482 : i32 to index
          %swap3A_485 = arith.index_cast %swap3A_483 : i32 to index
          %swap3A_486 = arith.index_cast %mul3A_481 : i32 to index
          %swap3A_487 = tpu.vector_load %arg7[%swap3A_484, %swap3A_485, %swap3A_486] {strides = array<i32>} : memref<4x2x128xi32, #tpu.memory_space<vmem>>, vector<1x1x16xi32>,
          %swap3A_488 = vector.shape_cast %swap3A_487 : vector<1x1x16xi32> to vector<16xi32>
          %swap3A_489 = vector.shape_cast %shift_right_logical3A_479 : vector<16xi32> to vector<1x1x16xi32>
          tpu.vector_store %arg7[%swap3A_484, %swap3A_485, %swap3A_486], %swap3A_489 {strides = array<i32>} : memref<4x2x128xi32, #tpu.memory_space<vmem>>, vector<1x1x16xi32>,
          %scan3A_490 = arith.constant 0 : i32
          scf.yield %scan3A_490 : i32
        }
        %scan3A_459 = arith.constant 8 : i32
      } else {
      }
      %ge3A_385 = arith.constant 1 : i32
      %ge3A_386 = arith.cmpi sge, %add3A_377, %ge3A_385 : i32
      %convert_element_type3A_387 = arith.extui %ge3A_386 : i1 to i32
      %cond3A_388 = arith.constant 0 : i32
      %cond3A_389 = arith.cmpi ne, %convert_element_type3A_387, %cond3A_388 : i32
      scf.if %cond3A_389 {
        %dma_wait3A_451 = arith.constant 1 : i32
        %dma_wait3A_452 = arith.constant 1 : i32
        %dma_wait3A_453 = arith.constant 0 : i32
        %dma_wait3A_454 = tpu.memref_slice %arg7[%dma_wait3A_451, %dma_wait3A_452, %dma_wait3A_453] : memref<4x2x128xi32, #tpu.memory_space<vmem>> -> memref<1x1x128xi32, #tpu.memory_space<vmem>>
        %dma_wait3A_455 = tpu.memref_squeeze %dma_wait3A_454 : memref<1x1x128xi32, #tpu.memory_space<vmem>> -> memref<128xi32, #tpu.memory_space<vmem>>
        %dma_wait3A_456 = arith.constant 0 : i32
        %dma_wait3A_457 = arith.constant 0 : i32
        %dma_wait3A_458 = tpu.memref_slice %arg10[%dma_wait3A_456, %dma_wait3A_457] : memref<10240x128xf32, #tpu.memory_space<vmem_shared>> -> memref<10240x128xf32, #tpu.memory_space<vmem_shared>>
        tpu.wait_indirect_dma semaphore(%arg14 : memref<!tpu.dma_semaphore, #tpu.memory_space<semaphore_mem>>) src(%arg9 : memref<128x128xf32, #tpu.memory_space<vmem>>) dst(%dma_wait3A_458 : memref<10240x128xf32, #tpu.memory_space<vmem_shared>>)
      } else {
      }
      %add3A_390 = arith.constant 1 : i32
      %add3A_391 = arith.addi %add3A_377, %add3A_390 : i32
      %lt3A_392 = arith.constant 82 : i32
      %lt3A_393 = arith.cmpi slt, %add3A_391, %lt3A_392 : i32
      %convert_element_type3A_394 = arith.extui %lt3A_393 : i1 to i32
      %cond3A_395 = arith.constant 0 : i32
      %cond3A_396 = arith.cmpi ne, %convert_element_type3A_394, %cond3A_395 : i32
      scf.if %cond3A_396 {
        %dma_start3A_451 = arith.constant 3 : i32
        %dma_start3A_452 = arith.constant 0 : i32
        %dma_start3A_453 = arith.constant 0 : i32
        %dma_start3A_454 = tpu.memref_slice %arg7[%dma_start3A_451, %dma_start3A_452, %dma_start3A_453] : memref<4x2x128xi32, #tpu.memory_space<vmem>> -> memref<1x1x128xi32, #tpu.memory_space<vmem>>
        %dma_start3A_455 = tpu.memref_squeeze %dma_start3A_454 : memref<1x1x128xi32, #tpu.memory_space<vmem>> -> memref<128xi32, #tpu.memory_space<vmem>>
        %dma_start3A_456 = arith.constant 0 : i32
        %dma_start3A_457 = arith.constant 0 : i32
        %dma_start3A_458 = tpu.memref_slice %arg4[%dma_start3A_456, %dma_start3A_457] : memref<10240x128xf32, #tpu.memory_space<hbm>> -> memref<10240x128xf32, #tpu.memory_space<hbm>>
        tpu.enqueue_indirect_dma source(%dma_start3A_458 : memref<10240x128xf32, #tpu.memory_space<hbm>>) target(%arg9 : memref<128x128xf32, #tpu.memory_space<vmem>>) offsets(%dma_start3A_455 : memref<128xi32, #tpu.memory_space<vmem>>) semaphore(%arg12 : memref<!tpu.dma_semaphore, #tpu.memory_space<semaphore_mem>>)
      } else {
      }
      %dma_wait3A_397 = arith.constant 2 : i32
      %dma_wait3A_398 = arith.constant 0 : i32
      %dma_wait3A_399 = arith.constant 0 : i32
      %dma_wait3A_400 = tpu.memref_slice %arg7[%dma_wait3A_397, %dma_wait3A_398, %dma_wait3A_399] : memref<4x2x128xi32, #tpu.memory_space<vmem>> -> memref<1x1x128xi32, #tpu.memory_space<vmem>>
      %dma_wait3A_401 = tpu.memref_squeeze %dma_wait3A_400 : memref<1x1x128xi32, #tpu.memory_space<vmem>> -> memref<128xi32, #tpu.memory_space<vmem>>
      %dma_wait3A_402 = arith.constant 0 : i32
      %dma_wait3A_403 = arith.constant 0 : i32
      %dma_wait3A_404 = tpu.memref_slice %arg4[%dma_wait3A_402, %dma_wait3A_403] : memref<10240x128xf32, #tpu.memory_space<hbm>> -> memref<10240x128xf32, #tpu.memory_space<hbm>>
      tpu.wait_indirect_dma semaphore(%arg11 : memref<!tpu.dma_semaphore, #tpu.memory_space<semaphore_mem>>) src(%dma_wait3A_404 : memref<10240x128xf32, #tpu.memory_space<hbm>>) dst(%arg8 : memref<128x128xf32, #tpu.memory_space<vmem>>)
      %dma_start3A_405 = arith.constant 2 : i32
      %dma_start3A_406 = arith.constant 1 : i32
      %dma_start3A_407 = arith.constant 0 : i32
      %dma_start3A_408 = tpu.memref_slice %arg7[%dma_start3A_405, %dma_start3A_406, %dma_start3A_407] : memref<4x2x128xi32, #tpu.memory_space<vmem>> -> memref<1x1x128xi32, #tpu.memory_space<vmem>>
      %dma_start3A_409 = tpu.memref_squeeze %dma_start3A_408 : memref<1x1x128xi32, #tpu.memory_space<vmem>> -> memref<128xi32, #tpu.memory_space<vmem>>
      %dma_start3A_410 = arith.constant 0 : i32
      %dma_start3A_411 = arith.constant 0 : i32
      %dma_start3A_412 = tpu.memref_slice %arg10[%dma_start3A_410, %dma_start3A_411] : memref<10240x128xf32, #tpu.memory_space<vmem_shared>> -> memref<10240x128xf32, #tpu.memory_space<vmem_shared>>
      tpu.enqueue_indirect_dma source(%arg8 : memref<128x128xf32, #tpu.memory_space<vmem>>) target(%dma_start3A_412 : memref<10240x128xf32, #tpu.memory_space<vmem_shared>>) offsets(%dma_start3A_409 : memref<128xi32, #tpu.memory_space<vmem>>) semaphore(%arg13 : memref<!tpu.dma_semaphore, #tpu.memory_space<semaphore_mem>>) {add = true}
      %add3A_413 = arith.constant 3 : i32
      %add3A_414 = arith.addi %mul3A_307, %add3A_413 : i32
      %add3A_415 = arith.constant 1 : i32
      %add3A_416 = arith.addi %add3A_414, %add3A_415 : i32
      %lt3A_417 = arith.constant 82 : i32
      %lt3A_418 = arith.cmpi slt, %add3A_416, %lt3A_417 : i32
      %convert_element_type3A_419 = arith.extui %lt3A_418 : i1 to i32
      %cond3A_420 = arith.constant 0 : i32
      %cond3A_421 = arith.cmpi ne, %convert_element_type3A_419, %cond3A_420 : i32
      scf.if %cond3A_421 {
        %add3A_451 = arith.constant 1 : i32
        %add3A_452 = arith.addi %add3A_414, %add3A_451 : i32
        %scan3A_453 = arith.constant 0 : i32
        %scan3A_454 = arith.constant 0 : i32
        %scan3A_455 = arith.constant 8 : i32
        %scan3A_456 = arith.addi %scan3A_454, %scan3A_455 : i32
        %scan3A_457 = arith.constant 1 : i32
        %scan3A_458 = scf.for %scan3A_460 = %scan3A_454 to %scan3A_456 step %scan3A_457 iter_args(%scan3A_461 = %scan3A_453) -> (i32)  : i32 {
          %mul3A_462 = arith.constant 16 : i32
          %mul3A_463 = arith.muli %scan3A_460, %mul3A_462 : i32
          %get3A = arith.index_cast %add3A_452 : i32 to index
          %get3A_464 = arith.index_cast %mul3A_463 : i32 to index
          %get3A_465 = tpu.vector_load %arg6[%get3A, %get3A_464] {strides = array<i32>} : memref<82x128xi32, #tpu.memory_space<vmem>>, vector<1x16xi32>,
          %get3A_466 = vector.shape_cast %get3A_465 : vector<1x16xi32> to vector<16xi32>
          %and3A = arith.constant 16383 : i32
          %and3A_467 = vector.broadcast %and3A : i32 to vector<16xi32>
          %and3A_468 = arith.andi %get3A_466, %and3A_467 : vector<16xi32>
          %mul3A_469 = arith.constant 16 : i32
          %mul3A_470 = arith.muli %scan3A_460, %mul3A_469 : i32
          %swap3A = arith.constant 0 : i32
          %swap3A_471 = arith.constant 0 : i32
          %swap3A_472 = arith.index_cast %swap3A : i32 to index
          %swap3A_473 = arith.index_cast %swap3A_471 : i32 to index
          %swap3A_474 = arith.index_cast %mul3A_470 : i32 to index
          %swap3A_475 = tpu.vector_load %arg7[%swap3A_472, %swap3A_473, %swap3A_474] {strides = array<i32>} : memref<4x2x128xi32, #tpu.memory_space<vmem>>, vector<1x1x16xi32>,
          %swap3A_476 = vector.shape_cast %swap3A_475 : vector<1x1x16xi32> to vector<16xi32>
          %swap3A_477 = vector.shape_cast %and3A_468 : vector<16xi32> to vector<1x1x16xi32>
          tpu.vector_store %arg7[%swap3A_472, %swap3A_473, %swap3A_474], %swap3A_477 {strides = array<i32>} : memref<4x2x128xi32, #tpu.memory_space<vmem>>, vector<1x1x16xi32>,
          %shift_right_logical3A = arith.constant 14 : i32
          %shift_right_logical3A_478 = vector.broadcast %shift_right_logical3A : i32 to vector<16xi32>
          %shift_right_logical3A_479 = arith.shrui %get3A_466, %shift_right_logical3A_478 : vector<16xi32>
          %mul3A_480 = arith.constant 16 : i32
          %mul3A_481 = arith.muli %scan3A_460, %mul3A_480 : i32
          %swap3A_482 = arith.constant 0 : i32
          %swap3A_483 = arith.constant 1 : i32
          %swap3A_484 = arith.index_cast %swap3A_482 : i32 to index
          %swap3A_485 = arith.index_cast %swap3A_483 : i32 to index
          %swap3A_486 = arith.index_cast %mul3A_481 : i32 to index
          %swap3A_487 = tpu.vector_load %arg7[%swap3A_484, %swap3A_485, %swap3A_486] {strides = array<i32>} : memref<4x2x128xi32, #tpu.memory_space<vmem>>, vector<1x1x16xi32>,
          %swap3A_488 = vector.shape_cast %swap3A_487 : vector<1x1x16xi32> to vector<16xi32>
          %swap3A_489 = vector.shape_cast %shift_right_logical3A_479 : vector<16xi32> to vector<1x1x16xi32>
          tpu.vector_store %arg7[%swap3A_484, %swap3A_485, %swap3A_486], %swap3A_489 {strides = array<i32>} : memref<4x2x128xi32, #tpu.memory_space<vmem>>, vector<1x1x16xi32>,
          %scan3A_490 = arith.constant 0 : i32
          scf.yield %scan3A_490 : i32
        }
        %scan3A_459 = arith.constant 8 : i32
      } else {
      }
      %ge3A_422 = arith.constant 1 : i32
      %ge3A_423 = arith.cmpi sge, %add3A_414, %ge3A_422 : i32
      %convert_element_type3A_424 = arith.extui %ge3A_423 : i1 to i32
      %cond3A_425 = arith.constant 0 : i32
      %cond3A_426 = arith.cmpi ne, %convert_element_type3A_424, %cond3A_425 : i32
      scf.if %cond3A_426 {
        %dma_wait3A_451 = arith.constant 2 : i32
        %dma_wait3A_452 = arith.constant 1 : i32
        %dma_wait3A_453 = arith.constant 0 : i32
        %dma_wait3A_454 = tpu.memref_slice %arg7[%dma_wait3A_451, %dma_wait3A_452, %dma_wait3A_453] : memref<4x2x128xi32, #tpu.memory_space<vmem>> -> memref<1x1x128xi32, #tpu.memory_space<vmem>>
        %dma_wait3A_455 = tpu.memref_squeeze %dma_wait3A_454 : memref<1x1x128xi32, #tpu.memory_space<vmem>> -> memref<128xi32, #tpu.memory_space<vmem>>
        %dma_wait3A_456 = arith.constant 0 : i32
        %dma_wait3A_457 = arith.constant 0 : i32
        %dma_wait3A_458 = tpu.memref_slice %arg10[%dma_wait3A_456, %dma_wait3A_457] : memref<10240x128xf32, #tpu.memory_space<vmem_shared>> -> memref<10240x128xf32, #tpu.memory_space<vmem_shared>>
        tpu.wait_indirect_dma semaphore(%arg13 : memref<!tpu.dma_semaphore, #tpu.memory_space<semaphore_mem>>) src(%arg8 : memref<128x128xf32, #tpu.memory_space<vmem>>) dst(%dma_wait3A_458 : memref<10240x128xf32, #tpu.memory_space<vmem_shared>>)
      } else {
      }
      %add3A_427 = arith.constant 1 : i32
      %add3A_428 = arith.addi %add3A_414, %add3A_427 : i32
      %lt3A_429 = arith.constant 82 : i32
      %lt3A_430 = arith.cmpi slt, %add3A_428, %lt3A_429 : i32
      %convert_element_type3A_431 = arith.extui %lt3A_430 : i1 to i32
      %cond3A_432 = arith.constant 0 : i32
      %cond3A_433 = arith.cmpi ne, %convert_element_type3A_431, %cond3A_432 : i32
      scf.if %cond3A_433 {
        %dma_start3A_451 = arith.constant 0 : i32
        %dma_start3A_452 = arith.constant 0 : i32
        %dma_start3A_453 = arith.constant 0 : i32
        %dma_start3A_454 = tpu.memref_slice %arg7[%dma_start3A_451, %dma_start3A_452, %dma_start3A_453] : memref<4x2x128xi32, #tpu.memory_space<vmem>> -> memref<1x1x128xi32, #tpu.memory_space<vmem>>
        %dma_start3A_455 = tpu.memref_squeeze %dma_start3A_454 : memref<1x1x128xi32, #tpu.memory_space<vmem>> -> memref<128xi32, #tpu.memory_space<vmem>>
        %dma_start3A_456 = arith.constant 0 : i32
        %dma_start3A_457 = arith.constant 0 : i32
        %dma_start3A_458 = tpu.memref_slice %arg4[%dma_start3A_456, %dma_start3A_457] : memref<10240x128xf32, #tpu.memory_space<hbm>> -> memref<10240x128xf32, #tpu.memory_space<hbm>>
        tpu.enqueue_indirect_dma source(%dma_start3A_458 : memref<10240x128xf32, #tpu.memory_space<hbm>>) target(%arg8 : memref<128x128xf32, #tpu.memory_space<vmem>>) offsets(%dma_start3A_455 : memref<128xi32, #tpu.memory_space<vmem>>) semaphore(%arg11 : memref<!tpu.dma_semaphore, #tpu.memory_space<semaphore_mem>>)
      } else {
      }
      %dma_wait3A_434 = arith.constant 3 : i32
      %dma_wait3A_435 = arith.constant 0 : i32
      %dma_wait3A_436 = arith.constant 0 : i32
      %dma_wait3A_437 = tpu.memref_slice %arg7[%dma_wait3A_434, %dma_wait3A_435, %dma_wait3A_436] : memref<4x2x128xi32, #tpu.memory_space<vmem>> -> memref<1x1x128xi32, #tpu.memory_space<vmem>>
      %dma_wait3A_438 = tpu.memref_squeeze %dma_wait3A_437 : memref<1x1x128xi32, #tpu.memory_space<vmem>> -> memref<128xi32, #tpu.memory_space<vmem>>
      %dma_wait3A_439 = arith.constant 0 : i32
      %dma_wait3A_440 = arith.constant 0 : i32
      %dma_wait3A_441 = tpu.memref_slice %arg4[%dma_wait3A_439, %dma_wait3A_440] : memref<10240x128xf32, #tpu.memory_space<hbm>> -> memref<10240x128xf32, #tpu.memory_space<hbm>>
      tpu.wait_indirect_dma semaphore(%arg12 : memref<!tpu.dma_semaphore, #tpu.memory_space<semaphore_mem>>) src(%dma_wait3A_441 : memref<10240x128xf32, #tpu.memory_space<hbm>>) dst(%arg9 : memref<128x128xf32, #tpu.memory_space<vmem>>)
      %dma_start3A_442 = arith.constant 3 : i32
      %dma_start3A_443 = arith.constant 1 : i32
      %dma_start3A_444 = arith.constant 0 : i32
      %dma_start3A_445 = tpu.memref_slice %arg7[%dma_start3A_442, %dma_start3A_443, %dma_start3A_444] : memref<4x2x128xi32, #tpu.memory_space<vmem>> -> memref<1x1x128xi32, #tpu.memory_space<vmem>>
      %dma_start3A_446 = tpu.memref_squeeze %dma_start3A_445 : memref<1x1x128xi32, #tpu.memory_space<vmem>> -> memref<128xi32, #tpu.memory_space<vmem>>
      %dma_start3A_447 = arith.constant 0 : i32
      %dma_start3A_448 = arith.constant 0 : i32
      %dma_start3A_449 = tpu.memref_slice %arg10[%dma_start3A_447, %dma_start3A_448] : memref<10240x128xf32, #tpu.memory_space<vmem_shared>> -> memref<10240x128xf32, #tpu.memory_space<vmem_shared>>
      tpu.enqueue_indirect_dma source(%arg9 : memref<128x128xf32, #tpu.memory_space<vmem>>) target(%dma_start3A_449 : memref<10240x128xf32, #tpu.memory_space<vmem_shared>>) offsets(%dma_start3A_446 : memref<128xi32, #tpu.memory_space<vmem>>) semaphore(%arg14 : memref<!tpu.dma_semaphore, #tpu.memory_space<semaphore_mem>>) {add = true}
      %scan3A_450 = arith.constant 0 : i32
      scf.yield %scan3A_450 : i32
    }
    %scan3A_141 = arith.constant 20 : i32
    %scan3A_142 = arith.constant 0 : i32
    %scan3A_143 = arith.constant 0 : i32
    %scan3A_144 = arith.constant 8 : i32
    %scan3A_145 = arith.addi %scan3A_143, %scan3A_144 : i32
    %scan3A_146 = arith.constant 1 : i32
    %scan3A_147 = scf.for %scan3A_304 = %scan3A_143 to %scan3A_145 step %scan3A_146 iter_args(%scan3A_305 = %scan3A_142) -> (i32)  : i32 {
      %mul3A_306 = arith.constant 16 : i32
      %mul3A_307 = arith.muli %scan3A_304, %mul3A_306 : i32
      %get3A = arith.constant 81 : i32
      %get3A_308 = arith.index_cast %get3A : i32 to index
      %get3A_309 = arith.index_cast %mul3A_307 : i32 to index
      %get3A_310 = tpu.vector_load %arg6[%get3A_308, %get3A_309] {strides = array<i32>} : memref<82x128xi32, #tpu.memory_space<vmem>>, vector<1x16xi32>,
      %get3A_311 = vector.shape_cast %get3A_310 : vector<1x16xi32> to vector<16xi32>
      %and3A = arith.constant 16383 : i32
      %and3A_312 = vector.broadcast %and3A : i32 to vector<16xi32>
      %and3A_313 = arith.andi %get3A_311, %and3A_312 : vector<16xi32>
      %mul3A_314 = arith.constant 16 : i32
      %mul3A_315 = arith.muli %scan3A_304, %mul3A_314 : i32
      %swap3A = arith.constant 1 : i32
      %swap3A_316 = arith.constant 0 : i32
      %swap3A_317 = arith.index_cast %swap3A : i32 to index
      %swap3A_318 = arith.index_cast %swap3A_316 : i32 to index
      %swap3A_319 = arith.index_cast %mul3A_315 : i32 to index
      %swap3A_320 = tpu.vector_load %arg7[%swap3A_317, %swap3A_318, %swap3A_319] {strides = array<i32>} : memref<4x2x128xi32, #tpu.memory_space<vmem>>, vector<1x1x16xi32>,
      %swap3A_321 = vector.shape_cast %swap3A_320 : vector<1x1x16xi32> to vector<16xi32>
      %swap3A_322 = vector.shape_cast %and3A_313 : vector<16xi32> to vector<1x1x16xi32>
      tpu.vector_store %arg7[%swap3A_317, %swap3A_318, %swap3A_319], %swap3A_322 {strides = array<i32>} : memref<4x2x128xi32, #tpu.memory_space<vmem>>, vector<1x1x16xi32>,
      %shift_right_logical3A = arith.constant 14 : i32
      %shift_right_logical3A_323 = vector.broadcast %shift_right_logical3A : i32 to vector<16xi32>
      %shift_right_logical3A_324 = arith.shrui %get3A_311, %shift_right_logical3A_323 : vector<16xi32>
      %mul3A_325 = arith.constant 16 : i32
      %mul3A_326 = arith.muli %scan3A_304, %mul3A_325 : i32
      %swap3A_327 = arith.constant 1 : i32
      %swap3A_328 = arith.constant 1 : i32
      %swap3A_329 = arith.index_cast %swap3A_327 : i32 to index
      %swap3A_330 = arith.index_cast %swap3A_328 : i32 to index
      %swap3A_331 = arith.index_cast %mul3A_326 : i32 to index
      %swap3A_332 = tpu.vector_load %arg7[%swap3A_329, %swap3A_330, %swap3A_331] {strides = array<i32>} : memref<4x2x128xi32, #tpu.memory_space<vmem>>, vector<1x1x16xi32>,
      %swap3A_333 = vector.shape_cast %swap3A_332 : vector<1x1x16xi32> to vector<16xi32>
      %swap3A_334 = vector.shape_cast %shift_right_logical3A_324 : vector<16xi32> to vector<1x1x16xi32>
      tpu.vector_store %arg7[%swap3A_329, %swap3A_330, %swap3A_331], %swap3A_334 {strides = array<i32>} : memref<4x2x128xi32, #tpu.memory_space<vmem>>, vector<1x1x16xi32>,
      %scan3A_335 = arith.constant 0 : i32
      scf.yield %scan3A_335 : i32
    }
    %scan3A_148 = arith.constant 8 : i32
    %dma_wait3A_149 = arith.constant 3 : i32
    %dma_wait3A_150 = arith.constant 1 : i32
    %dma_wait3A_151 = arith.constant 0 : i32
    %dma_wait3A_152 = tpu.memref_slice %arg7[%dma_wait3A_149, %dma_wait3A_150, %dma_wait3A_151] : memref<4x2x128xi32, #tpu.memory_space<vmem>> -> memref<1x1x128xi32, #tpu.memory_space<vmem>>
    %dma_wait3A_153 = tpu.memref_squeeze %dma_wait3A_152 : memref<1x1x128xi32, #tpu.memory_space<vmem>> -> memref<128xi32, #tpu.memory_space<vmem>>
    %dma_wait3A_154 = arith.constant 0 : i32
    %dma_wait3A_155 = arith.constant 0 : i32
    %dma_wait3A_156 = tpu.memref_slice %arg10[%dma_wait3A_154, %dma_wait3A_155] : memref<10240x128xf32, #tpu.memory_space<vmem_shared>> -> memref<10240x128xf32, #tpu.memory_space<vmem_shared>>
    tpu.wait_indirect_dma semaphore(%arg14 : memref<!tpu.dma_semaphore, #tpu.memory_space<semaphore_mem>>) src(%arg9 : memref<128x128xf32, #tpu.memory_space<vmem>>) dst(%dma_wait3A_156 : memref<10240x128xf32, #tpu.memory_space<vmem_shared>>)
    %dma_start3A_157 = arith.constant 1 : i32
    %dma_start3A_158 = arith.constant 0 : i32
    %dma_start3A_159 = arith.constant 0 : i32
    %dma_start3A_160 = tpu.memref_slice %arg7[%dma_start3A_157, %dma_start3A_158, %dma_start3A_159] : memref<4x2x128xi32, #tpu.memory_space<vmem>> -> memref<1x1x128xi32, #tpu.memory_space<vmem>>
    %dma_start3A_161 = tpu.memref_squeeze %dma_start3A_160 : memref<1x1x128xi32, #tpu.memory_space<vmem>> -> memref<128xi32, #tpu.memory_space<vmem>>
    %dma_start3A_162 = arith.constant 0 : i32
    %dma_start3A_163 = arith.constant 0 : i32
    %dma_start3A_164 = tpu.memref_slice %arg4[%dma_start3A_162, %dma_start3A_163] : memref<10240x128xf32, #tpu.memory_space<hbm>> -> memref<10240x128xf32, #tpu.memory_space<hbm>>
    tpu.enqueue_indirect_dma source(%dma_start3A_164 : memref<10240x128xf32, #tpu.memory_space<hbm>>) target(%arg9 : memref<128x128xf32, #tpu.memory_space<vmem>>) offsets(%dma_start3A_161 : memref<128xi32, #tpu.memory_space<vmem>>) semaphore(%arg12 : memref<!tpu.dma_semaphore, #tpu.memory_space<semaphore_mem>>)
    %dma_wait3A_165 = arith.constant 0 : i32
    %dma_wait3A_166 = arith.constant 0 : i32
    %dma_wait3A_167 = arith.constant 0 : i32
    %dma_wait3A_168 = tpu.memref_slice %arg7[%dma_wait3A_165, %dma_wait3A_166, %dma_wait3A_167] : memref<4x2x128xi32, #tpu.memory_space<vmem>> -> memref<1x1x128xi32, #tpu.memory_space<vmem>>
    %dma_wait3A_169 = tpu.memref_squeeze %dma_wait3A_168 : memref<1x1x128xi32, #tpu.memory_space<vmem>> -> memref<128xi32, #tpu.memory_space<vmem>>
    %dma_wait3A_170 = arith.constant 0 : i32
    %dma_wait3A_171 = arith.constant 0 : i32
    %dma_wait3A_172 = tpu.memref_slice %arg4[%dma_wait3A_170, %dma_wait3A_171] : memref<10240x128xf32, #tpu.memory_space<hbm>> -> memref<10240x128xf32, #tpu.memory_space<hbm>>
    tpu.wait_indirect_dma semaphore(%arg11 : memref<!tpu.dma_semaphore, #tpu.memory_space<semaphore_mem>>) src(%dma_wait3A_172 : memref<10240x128xf32, #tpu.memory_space<hbm>>) dst(%arg8 : memref<128x128xf32, #tpu.memory_space<vmem>>)
    %dma_start3A_173 = arith.constant 0 : i32
    %dma_start3A_174 = arith.constant 1 : i32
    %dma_start3A_175 = arith.constant 0 : i32
    %dma_start3A_176 = tpu.memref_slice %arg7[%dma_start3A_173, %dma_start3A_174, %dma_start3A_175] : memref<4x2x128xi32, #tpu.memory_space<vmem>> -> memref<1x1x128xi32, #tpu.memory_space<vmem>>
    %dma_start3A_177 = tpu.memref_squeeze %dma_start3A_176 : memref<1x1x128xi32, #tpu.memory_space<vmem>> -> memref<128xi32, #tpu.memory_space<vmem>>
    %dma_start3A_178 = arith.constant 0 : i32
    %dma_start3A_179 = arith.constant 0 : i32
    %dma_start3A_180 = tpu.memref_slice %arg10[%dma_start3A_178, %dma_start3A_179] : memref<10240x128xf32, #tpu.memory_space<vmem_shared>> -> memref<10240x128xf32, #tpu.memory_space<vmem_shared>>
    tpu.enqueue_indirect_dma source(%arg8 : memref<128x128xf32, #tpu.memory_space<vmem>>) target(%dma_start3A_180 : memref<10240x128xf32, #tpu.memory_space<vmem_shared>>) offsets(%dma_start3A_177 : memref<128xi32, #tpu.memory_space<vmem>>) semaphore(%arg13 : memref<!tpu.dma_semaphore, #tpu.memory_space<semaphore_mem>>) {add = true}
    %dma_wait3A_181 = arith.constant 0 : i32
    %dma_wait3A_182 = arith.constant 1 : i32
    %dma_wait3A_183 = arith.constant 0 : i32
    %dma_wait3A_184 = tpu.memref_slice %arg7[%dma_wait3A_181, %dma_wait3A_182, %dma_wait3A_183] : memref<4x2x128xi32, #tpu.memory_space<vmem>> -> memref<1x1x128xi32, #tpu.memory_space<vmem>>
    %dma_wait3A_185 = tpu.memref_squeeze %dma_wait3A_184 : memref<1x1x128xi32, #tpu.memory_space<vmem>> -> memref<128xi32, #tpu.memory_space<vmem>>
    %dma_wait3A_186 = arith.constant 0 : i32
    %dma_wait3A_187 = arith.constant 0 : i32
    %dma_wait3A_188 = tpu.memref_slice %arg10[%dma_wait3A_186, %dma_wait3A_187] : memref<10240x128xf32, #tpu.memory_space<vmem_shared>> -> memref<10240x128xf32, #tpu.memory_space<vmem_shared>>
    tpu.wait_indirect_dma semaphore(%arg13 : memref<!tpu.dma_semaphore, #tpu.memory_space<semaphore_mem>>) src(%arg8 : memref<128x128xf32, #tpu.memory_space<vmem>>) dst(%dma_wait3A_188 : memref<10240x128xf32, #tpu.memory_space<vmem_shared>>)
    %dma_wait3A_189 = arith.constant 1 : i32
    %dma_wait3A_190 = arith.constant 0 : i32
    %dma_wait3A_191 = arith.constant 0 : i32
    %dma_wait3A_192 = tpu.memref_slice %arg7[%dma_wait3A_189, %dma_wait3A_190, %dma_wait3A_191] : memref<4x2x128xi32, #tpu.memory_space<vmem>> -> memref<1x1x128xi32, #tpu.memory_space<vmem>>
    %dma_wait3A_193 = tpu.memref_squeeze %dma_wait3A_192 : memref<1x1x128xi32, #tpu.memory_space<vmem>> -> memref<128xi32, #tpu.memory_space<vmem>>
    %dma_wait3A_194 = arith.constant 0 : i32
    %dma_wait3A_195 = arith.constant 0 : i32
    %dma_wait3A_196 = tpu.memref_slice %arg4[%dma_wait3A_194, %dma_wait3A_195] : memref<10240x128xf32, #tpu.memory_space<hbm>> -> memref<10240x128xf32, #tpu.memory_space<hbm>>
    tpu.wait_indirect_dma semaphore(%arg12 : memref<!tpu.dma_semaphore, #tpu.memory_space<semaphore_mem>>) src(%dma_wait3A_196 : memref<10240x128xf32, #tpu.memory_space<hbm>>) dst(%arg9 : memref<128x128xf32, #tpu.memory_space<vmem>>)
    %dma_start3A_197 = arith.constant 1 : i32
    %dma_start3A_198 = arith.constant 1 : i32
    %dma_start3A_199 = arith.constant 0 : i32
    %dma_start3A_200 = tpu.memref_slice %arg7[%dma_start3A_197, %dma_start3A_198, %dma_start3A_199] : memref<4x2x128xi32, #tpu.memory_space<vmem>> -> memref<1x1x128xi32, #tpu.memory_space<vmem>>
    %dma_start3A_201 = tpu.memref_squeeze %dma_start3A_200 : memref<1x1x128xi32, #tpu.memory_space<vmem>> -> memref<128xi32, #tpu.memory_space<vmem>>
    %dma_start3A_202 = arith.constant 0 : i32
    %dma_start3A_203 = arith.constant 0 : i32
    %dma_start3A_204 = tpu.memref_slice %arg10[%dma_start3A_202, %dma_start3A_203] : memref<10240x128xf32, #tpu.memory_space<vmem_shared>> -> memref<10240x128xf32, #tpu.memory_space<vmem_shared>>
    tpu.enqueue_indirect_dma source(%arg9 : memref<128x128xf32, #tpu.memory_space<vmem>>) target(%dma_start3A_204 : memref<10240x128xf32, #tpu.memory_space<vmem_shared>>) offsets(%dma_start3A_201 : memref<128xi32, #tpu.memory_space<vmem>>) semaphore(%arg14 : memref<!tpu.dma_semaphore, #tpu.memory_space<semaphore_mem>>) {add = true}
    %dma_wait3A_205 = arith.constant 1 : i32
    %dma_wait3A_206 = arith.constant 1 : i32
    %dma_wait3A_207 = arith.constant 0 : i32
    %dma_wait3A_208 = tpu.memref_slice %arg7[%dma_wait3A_205, %dma_wait3A_206, %dma_wait3A_207] : memref<4x2x128xi32, #tpu.memory_space<vmem>> -> memref<1x1x128xi32, #tpu.memory_space<vmem>>
    %dma_wait3A_209 = tpu.memref_squeeze %dma_wait3A_208 : memref<1x1x128xi32, #tpu.memory_space<vmem>> -> memref<128xi32, #tpu.memory_space<vmem>>
    %dma_wait3A_210 = arith.constant 0 : i32
    %dma_wait3A_211 = arith.constant 0 : i32
    %dma_wait3A_212 = tpu.memref_slice %arg10[%dma_wait3A_210, %dma_wait3A_211] : memref<10240x128xf32, #tpu.memory_space<vmem_shared>> -> memref<10240x128xf32, #tpu.memory_space<vmem_shared>>
    tpu.wait_indirect_dma semaphore(%arg14 : memref<!tpu.dma_semaphore, #tpu.memory_space<semaphore_mem>>) src(%arg9 : memref<128x128xf32, #tpu.memory_space<vmem>>) dst(%dma_wait3A_212 : memref<10240x128xf32, #tpu.memory_space<vmem_shared>>)
    %barrier3A_213 = arith.constant 0 : index
    tpu.barrier barrier_id(%barrier3A_213)
    %add3A_214 = arith.constant 0 : i32
    %add3A_215 = arith.addi %mul3A_2, %add3A_214 : i32
    %add3A_216 = arith.constant 0 : i32
    %add3A_217 = arith.addi %mul3A_2, %add3A_216 : i32
    %dma_start3A_218 = arith.constant 0 : i32
    %dma_start3A_219 = tpu.memref_slice %arg5[%arg0, %add3A_217, %dma_start3A_218] : memref<2x10240x128xf32, #tpu.memory_space<hbm>> -> memref<1x128x128xf32, #tpu.memory_space<hbm>>
    %dma_start3A_220 = tpu.memref_squeeze %dma_start3A_219 : memref<1x128x128xf32, #tpu.memory_space<hbm>> -> memref<128x128xf32, #tpu.memory_space<hbm>>
    %dma_start3A_221 = arith.constant 0 : i32
    %dma_start3A_222 = tpu.memref_slice %arg10[%add3A_215, %dma_start3A_221] : memref<10240x128xf32, #tpu.memory_space<vmem_shared>> -> memref<128x128xf32, #tpu.memory_space<vmem_shared>>
    tpu.enqueue_dma source(%dma_start3A_222 : memref<128x128xf32, #tpu.memory_space<vmem_shared>>) target(%dma_start3A_220 : memref<128x128xf32, #tpu.memory_space<hbm>>) target_semaphore(%arg11 : memref<!tpu.dma_semaphore, #tpu.memory_space<semaphore_mem>>)
    %add3A_223 = arith.constant 128 : i32
    %add3A_224 = arith.addi %mul3A_2, %add3A_223 : i32
    %add3A_225 = arith.constant 128 : i32
    %add3A_226 = arith.addi %mul3A_2, %add3A_225 : i32
    %dma_start3A_227 = arith.constant 0 : i32
    %dma_start3A_228 = tpu.memref_slice %arg5[%arg0, %add3A_226, %dma_start3A_227] : memref<2x10240x128xf32, #tpu.memory_space<hbm>> -> memref<1x128x128xf32, #tpu.memory_space<hbm>>
    %dma_start3A_229 = tpu.memref_squeeze %dma_start3A_228 : memref<1x128x128xf32, #tpu.memory_space<hbm>> -> memref<128x128xf32, #tpu.memory_space<hbm>>
    %dma_start3A_230 = arith.constant 0 : i32
    %dma_start3A_231 = tpu.memref_slice %arg10[%add3A_224, %dma_start3A_230] : memref<10240x128xf32, #tpu.memory_space<vmem_shared>> -> memref<128x128xf32, #tpu.memory_space<vmem_shared>>
    tpu.enqueue_dma source(%dma_start3A_231 : memref<128x128xf32, #tpu.memory_space<vmem_shared>>) target(%dma_start3A_229 : memref<128x128xf32, #tpu.memory_space<hbm>>) target_semaphore(%arg11 : memref<!tpu.dma_semaphore, #tpu.memory_space<semaphore_mem>>)
    %add3A_232 = arith.constant 256 : i32
    %add3A_233 = arith.addi %mul3A_2, %add3A_232 : i32
    %add3A_234 = arith.constant 256 : i32
    %add3A_235 = arith.addi %mul3A_2, %add3A_234 : i32
    %dma_start3A_236 = arith.constant 0 : i32
    %dma_start3A_237 = tpu.memref_slice %arg5[%arg0, %add3A_235, %dma_start3A_236] : memref<2x10240x128xf32, #tpu.memory_space<hbm>> -> memref<1x128x128xf32, #tpu.memory_space<hbm>>
    %dma_start3A_238 = tpu.memref_squeeze %dma_start3A_237 : memref<1x128x128xf32, #tpu.memory_space<hbm>> -> memref<128x128xf32, #tpu.memory_space<hbm>>
    %dma_start3A_239 = arith.constant 0 : i32
    %dma_start3A_240 = tpu.memref_slice %arg10[%add3A_233, %dma_start3A_239] : memref<10240x128xf32, #tpu.memory_space<vmem_shared>> -> memref<128x128xf32, #tpu.memory_space<vmem_shared>>
    tpu.enqueue_dma source(%dma_start3A_240 : memref<128x128xf32, #tpu.memory_space<vmem_shared>>) target(%dma_start3A_238 : memref<128x128xf32, #tpu.memory_space<hbm>>) target_semaphore(%arg11 : memref<!tpu.dma_semaphore, #tpu.memory_space<semaphore_mem>>)
    %add3A_241 = arith.constant 384 : i32
    %add3A_242 = arith.addi %mul3A_2, %add3A_241 : i32
    %add3A_243 = arith.constant 384 : i32
    %add3A_244 = arith.addi %mul3A_2, %add3A_243 : i32
    %dma_start3A_245 = arith.constant 0 : i32
    %dma_start3A_246 = tpu.memref_slice %arg5[%arg0, %add3A_244, %dma_start3A_245] : memref<2x10240x128xf32, #tpu.memory_space<hbm>> -> memref<1x128x128xf32, #tpu.memory_space<hbm>>
    %dma_start3A_247 = tpu.memref_squeeze %dma_start3A_246 : memref<1x128x128xf32, #tpu.memory_space<hbm>> -> memref<128x128xf32, #tpu.memory_space<hbm>>
    %dma_start3A_248 = arith.constant 0 : i32
    %dma_start3A_249 = tpu.memref_slice %arg10[%add3A_242, %dma_start3A_248] : memref<10240x128xf32, #tpu.memory_space<vmem_shared>> -> memref<128x128xf32, #tpu.memory_space<vmem_shared>>
    tpu.enqueue_dma source(%dma_start3A_249 : memref<128x128xf32, #tpu.memory_space<vmem_shared>>) target(%dma_start3A_247 : memref<128x128xf32, #tpu.memory_space<hbm>>) target_semaphore(%arg11 : memref<!tpu.dma_semaphore, #tpu.memory_space<semaphore_mem>>)
    %add3A_250 = arith.constant 512 : i32
    %add3A_251 = arith.addi %mul3A_2, %add3A_250 : i32
    %add3A_252 = arith.constant 512 : i32
    %add3A_253 = arith.addi %mul3A_2, %add3A_252 : i32
    %dma_start3A_254 = arith.constant 0 : i32
    %dma_start3A_255 = tpu.memref_slice %arg5[%arg0, %add3A_253, %dma_start3A_254] : memref<2x10240x128xf32, #tpu.memory_space<hbm>> -> memref<1x128x128xf32, #tpu.memory_space<hbm>>
    %dma_start3A_256 = tpu.memref_squeeze %dma_start3A_255 : memref<1x128x128xf32, #tpu.memory_space<hbm>> -> memref<128x128xf32, #tpu.memory_space<hbm>>
    %dma_start3A_257 = arith.constant 0 : i32
    %dma_start3A_258 = tpu.memref_slice %arg10[%add3A_251, %dma_start3A_257] : memref<10240x128xf32, #tpu.memory_space<vmem_shared>> -> memref<128x128xf32, #tpu.memory_space<vmem_shared>>
    tpu.enqueue_dma source(%dma_start3A_258 : memref<128x128xf32, #tpu.memory_space<vmem_shared>>) target(%dma_start3A_256 : memref<128x128xf32, #tpu.memory_space<hbm>>) target_semaphore(%arg11 : memref<!tpu.dma_semaphore, #tpu.memory_space<semaphore_mem>>)
    %add3A_259 = arith.constant 0 : i32
    %add3A_260 = arith.addi %mul3A_2, %add3A_259 : i32
    %add3A_261 = arith.constant 0 : i32
    %add3A_262 = arith.addi %mul3A_2, %add3A_261 : i32
    %dma_wait3A_263 = arith.constant 0 : i32
    %dma_wait3A_264 = tpu.memref_slice %arg5[%arg0, %add3A_262, %dma_wait3A_263] : memref<2x10240x128xf32, #tpu.memory_space<hbm>> -> memref<1x128x128xf32, #tpu.memory_space<hbm>>
    %dma_wait3A_265 = tpu.memref_squeeze %dma_wait3A_264 : memref<1x128x128xf32, #tpu.memory_space<hbm>> -> memref<128x128xf32, #tpu.memory_space<hbm>>
    %dma_wait3A_266 = arith.constant 0 : i32
    %dma_wait3A_267 = tpu.memref_slice %arg10[%add3A_260, %dma_wait3A_266] : memref<10240x128xf32, #tpu.memory_space<vmem_shared>> -> memref<128x128xf32, #tpu.memory_space<vmem_shared>>
    tpu.wait_dma2 semaphore(%arg11 : memref<!tpu.dma_semaphore, #tpu.memory_space<semaphore_mem>>) src(%dma_wait3A_267 : memref<128x128xf32, #tpu.memory_space<vmem_shared>>) dst(%dma_wait3A_265 : memref<128x128xf32, #tpu.memory_space<hbm>>)
    %add3A_268 = arith.constant 128 : i32
    %add3A_269 = arith.addi %mul3A_2, %add3A_268 : i32
    %add3A_270 = arith.constant 128 : i32
    %add3A_271 = arith.addi %mul3A_2, %add3A_270 : i32
    %dma_wait3A_272 = arith.constant 0 : i32
    %dma_wait3A_273 = tpu.memref_slice %arg5[%arg0, %add3A_271, %dma_wait3A_272] : memref<2x10240x128xf32, #tpu.memory_space<hbm>> -> memref<1x128x128xf32, #tpu.memory_space<hbm>>
    %dma_wait3A_274 = tpu.memref_squeeze %dma_wait3A_273 : memref<1x128x128xf32, #tpu.memory_space<hbm>> -> memref<128x128xf32, #tpu.memory_space<hbm>>
    %dma_wait3A_275 = arith.constant 0 : i32
    %dma_wait3A_276 = tpu.memref_slice %arg10[%add3A_269, %dma_wait3A_275] : memref<10240x128xf32, #tpu.memory_space<vmem_shared>> -> memref<128x128xf32, #tpu.memory_space<vmem_shared>>
    tpu.wait_dma2 semaphore(%arg11 : memref<!tpu.dma_semaphore, #tpu.memory_space<semaphore_mem>>) src(%dma_wait3A_276 : memref<128x128xf32, #tpu.memory_space<vmem_shared>>) dst(%dma_wait3A_274 : memref<128x128xf32, #tpu.memory_space<hbm>>)
    %add3A_277 = arith.constant 256 : i32
    %add3A_278 = arith.addi %mul3A_2, %add3A_277 : i32
    %add3A_279 = arith.constant 256 : i32
    %add3A_280 = arith.addi %mul3A_2, %add3A_279 : i32
    %dma_wait3A_281 = arith.constant 0 : i32
    %dma_wait3A_282 = tpu.memref_slice %arg5[%arg0, %add3A_280, %dma_wait3A_281] : memref<2x10240x128xf32, #tpu.memory_space<hbm>> -> memref<1x128x128xf32, #tpu.memory_space<hbm>>
    %dma_wait3A_283 = tpu.memref_squeeze %dma_wait3A_282 : memref<1x128x128xf32, #tpu.memory_space<hbm>> -> memref<128x128xf32, #tpu.memory_space<hbm>>
    %dma_wait3A_284 = arith.constant 0 : i32
    %dma_wait3A_285 = tpu.memref_slice %arg10[%add3A_278, %dma_wait3A_284] : memref<10240x128xf32, #tpu.memory_space<vmem_shared>> -> memref<128x128xf32, #tpu.memory_space<vmem_shared>>
    tpu.wait_dma2 semaphore(%arg11 : memref<!tpu.dma_semaphore, #tpu.memory_space<semaphore_mem>>) src(%dma_wait3A_285 : memref<128x128xf32, #tpu.memory_space<vmem_shared>>) dst(%dma_wait3A_283 : memref<128x128xf32, #tpu.memory_space<hbm>>)
    %add3A_286 = arith.constant 384 : i32
    %add3A_287 = arith.addi %mul3A_2, %add3A_286 : i32
    %add3A_288 = arith.constant 384 : i32
    %add3A_289 = arith.addi %mul3A_2, %add3A_288 : i32
    %dma_wait3A_290 = arith.constant 0 : i32
    %dma_wait3A_291 = tpu.memref_slice %arg5[%arg0, %add3A_289, %dma_wait3A_290] : memref<2x10240x128xf32, #tpu.memory_space<hbm>> -> memref<1x128x128xf32, #tpu.memory_space<hbm>>
    %dma_wait3A_292 = tpu.memref_squeeze %dma_wait3A_291 : memref<1x128x128xf32, #tpu.memory_space<hbm>> -> memref<128x128xf32, #tpu.memory_space<hbm>>
    %dma_wait3A_293 = arith.constant 0 : i32
    %dma_wait3A_294 = tpu.memref_slice %arg10[%add3A_287, %dma_wait3A_293] : memref<10240x128xf32, #tpu.memory_space<vmem_shared>> -> memref<128x128xf32, #tpu.memory_space<vmem_shared>>
    tpu.wait_dma2 semaphore(%arg11 : memref<!tpu.dma_semaphore, #tpu.memory_space<semaphore_mem>>) src(%dma_wait3A_294 : memref<128x128xf32, #tpu.memory_space<vmem_shared>>) dst(%dma_wait3A_292 : memref<128x128xf32, #tpu.memory_space<hbm>>)
    %add3A_295 = arith.constant 512 : i32
    %add3A_296 = arith.addi %mul3A_2, %add3A_295 : i32
    %add3A_297 = arith.constant 512 : i32
    %add3A_298 = arith.addi %mul3A_2, %add3A_297 : i32
    %dma_wait3A_299 = arith.constant 0 : i32
    %dma_wait3A_300 = tpu.memref_slice %arg5[%arg0, %add3A_298, %dma_wait3A_299] : memref<2x10240x128xf32, #tpu.memory_space<hbm>> -> memref<1x128x128xf32, #tpu.memory_space<hbm>>
    %dma_wait3A_301 = tpu.memref_squeeze %dma_wait3A_300 : memref<1x128x128xf32, #tpu.memory_space<hbm>> -> memref<128x128xf32, #tpu.memory_space<hbm>>
    %dma_wait3A_302 = arith.constant 0 : i32
    %dma_wait3A_303 = tpu.memref_slice %arg10[%add3A_296, %dma_wait3A_302] : memref<10240x128xf32, #tpu.memory_space<vmem_shared>> -> memref<128x128xf32, #tpu.memory_space<vmem_shared>>
    tpu.wait_dma2 semaphore(%arg11 : memref<!tpu.dma_semaphore, #tpu.memory_space<semaphore_mem>>) src(%dma_wait3A_303 : memref<128x128xf32, #tpu.memory_space<vmem_shared>>) dst(%dma_wait3A_301 : memref<128x128xf32, #tpu.memory_space<hbm>>)
    return
  }
}

#map = affine_map<(d0, d1) -> (0, 0, 0)>
#map1 = affine_map<(d0, d1) -> (0)>
#map2 = affine_map<(d0, d1) -> (0, 0)>
module attributes {stable_mosaic.version = 14 : i64} {
  func.func @_deg_body(%arg0: i32, %arg1: i32, %arg2: memref<32x79x128xi32, #tpu.memory_space<hbm>>, %arg3: memref<128xf32, #tpu.memory_space<hbm>>, %arg4: memref<2x10240xf32, #tpu.memory_space<hbm>>, %arg5: memref<79x128xi32, #tpu.memory_space<vmem>>, %arg6: memref<128xf32, #tpu.memory_space<vmem>>, %arg7: memref<640xf32, #tpu.memory_space<vmem>>, %arg8: memref<10240xf32, #tpu.memory_space<vmem_shared>>, %arg9: memref<!tpu.dma_semaphore, #tpu.memory_space<semaphore_mem>>) attributes {dimension_semantics = [#tpu.dimension_semantics<core_parallel>, #tpu.dimension_semantics<subcore_parallel>], iteration_bounds = array<i64: 2, 16>, scalar_prefetch = 0 : i64, scratch_operands = 5 : i64, tpu.core_type = #tpu.core_type<sc_vector_subcore>, window_params = [{transform_indices = #map}, {transform_indices = #map1}, {transform_indices = #map2}]} {
    %mul3A = arith.constant 2 : i32
    %mul3A_0 = arith.muli %arg1, %mul3A : i32
    %add3A = arith.addi %mul3A_0, %arg0 : i32
    "tpu.region"() ({
      %run_scoped3A = tpu.sem_alloc : memref<!tpu.dma_semaphore, #tpu.memory_space<semaphore_mem>>
      %dma_start3A = arith.constant 0 : i32
      %dma_start3A_17 = arith.constant 0 : i32
      %dma_start3A_18 = tpu.memref_slice %arg2[%add3A, %dma_start3A, %dma_start3A_17] : memref<32x79x128xi32, #tpu.memory_space<hbm>> -> memref<1x79x128xi32, #tpu.memory_space<hbm>>
      %dma_start3A_19 = tpu.memref_squeeze %dma_start3A_18 : memref<1x79x128xi32, #tpu.memory_space<hbm>> -> memref<79x128xi32, #tpu.memory_space<hbm>>
      %dma_start3A_20 = arith.constant 0 : i32
      %dma_start3A_21 = arith.constant 0 : i32
      %dma_start3A_22 = tpu.memref_slice %arg2[%add3A, %dma_start3A_20, %dma_start3A_21] : memref<32x79x128xi32, #tpu.memory_space<hbm>> -> memref<1x79x128xi32, #tpu.memory_space<hbm>>
      %dma_start3A_23 = tpu.memref_squeeze %dma_start3A_22 : memref<1x79x128xi32, #tpu.memory_space<hbm>> -> memref<79x128xi32, #tpu.memory_space<hbm>>
      tpu.enqueue_dma source(%dma_start3A_23 : memref<79x128xi32, #tpu.memory_space<hbm>>) target(%arg5 : memref<79x128xi32, #tpu.memory_space<vmem>>) target_semaphore(%run_scoped3A : memref<!tpu.dma_semaphore, #tpu.memory_space<semaphore_mem>>)
      %dma_wait3A = arith.constant 0 : i32
      %dma_wait3A_24 = arith.constant 0 : i32
      %dma_wait3A_25 = tpu.memref_slice %arg2[%add3A, %dma_wait3A, %dma_wait3A_24] : memref<32x79x128xi32, #tpu.memory_space<hbm>> -> memref<1x79x128xi32, #tpu.memory_space<hbm>>
      %dma_wait3A_26 = tpu.memref_squeeze %dma_wait3A_25 : memref<1x79x128xi32, #tpu.memory_space<hbm>> -> memref<79x128xi32, #tpu.memory_space<hbm>>
      %dma_wait3A_27 = arith.constant 0 : i32
      %dma_wait3A_28 = arith.constant 0 : i32
      %dma_wait3A_29 = tpu.memref_slice %arg2[%add3A, %dma_wait3A_27, %dma_wait3A_28] : memref<32x79x128xi32, #tpu.memory_space<hbm>> -> memref<1x79x128xi32, #tpu.memory_space<hbm>>
      %dma_wait3A_30 = tpu.memref_squeeze %dma_wait3A_29 : memref<1x79x128xi32, #tpu.memory_space<hbm>> -> memref<79x128xi32, #tpu.memory_space<hbm>>
      tpu.wait_dma2 semaphore(%run_scoped3A : memref<!tpu.dma_semaphore, #tpu.memory_space<semaphore_mem>>) src(%dma_wait3A_30 : memref<79x128xi32, #tpu.memory_space<hbm>>) dst(%arg5 : memref<79x128xi32, #tpu.memory_space<vmem>>)
      tpu.yield
    }) : () -> ()
    "tpu.region"() ({
      %run_scoped3A = tpu.sem_alloc : memref<!tpu.dma_semaphore, #tpu.memory_space<semaphore_mem>>
      tpu.enqueue_dma source(%arg3 : memref<128xf32, #tpu.memory_space<hbm>>) target(%arg6 : memref<128xf32, #tpu.memory_space<vmem>>) target_semaphore(%run_scoped3A : memref<!tpu.dma_semaphore, #tpu.memory_space<semaphore_mem>>)
      tpu.wait_dma2 semaphore(%run_scoped3A : memref<!tpu.dma_semaphore, #tpu.memory_space<semaphore_mem>>) src(%arg3 : memref<128xf32, #tpu.memory_space<hbm>>) dst(%arg6 : memref<128xf32, #tpu.memory_space<vmem>>)
      tpu.yield
    }) : () -> ()
    %scan3A = arith.constant 0 : i32
    %scan3A_1 = arith.constant 0 : i32
    %scan3A_2 = arith.constant 40 : i32
    %scan3A_3 = arith.addi %scan3A_1, %scan3A_2 : i32
    %scan3A_4 = arith.constant 1 : i32
    %scan3A_5 = scf.for %scan3A_17 = %scan3A_1 to %scan3A_3 step %scan3A_4 iter_args(%scan3A_18 = %scan3A) -> (i32)  : i32 {
      %broadcast_in_dim3A = arith.constant 0.000000e+00 : f32
      %broadcast_in_dim3A_19 = vector.broadcast %broadcast_in_dim3A : f32 to vector<16xf32>
      %mul3A_20 = arith.constant 16 : i32
      %mul3A_21 = arith.muli %scan3A_17, %mul3A_20 : i32
      %swap3A = arith.index_cast %mul3A_21 : i32 to index
      %swap3A_22 = tpu.vector_load %arg7[%swap3A] {strides = array<i32>} : memref<640xf32, #tpu.memory_space<vmem>>, vector<16xf32>,
      %swap3A_23 = vector.shape_cast %swap3A_22 : vector<16xf32> to vector<16xf32>
      %swap3A_24 = vector.shape_cast %broadcast_in_dim3A_19 : vector<16xf32> to vector<16xf32>
      tpu.vector_store %arg7[%swap3A], %swap3A_24 {strides = array<i32>} : memref<640xf32, #tpu.memory_space<vmem>>, vector<16xf32>,
      %scan3A_25 = arith.constant 0 : i32
      scf.yield %scan3A_25 : i32
    }
    %scan3A_6 = arith.constant 40 : i32
    %mul3A_7 = arith.constant 640 : i32
    %mul3A_8 = arith.muli %arg1, %mul3A_7 : i32
    "tpu.region"() ({
      %run_scoped3A = tpu.sem_alloc : memref<!tpu.dma_semaphore, #tpu.memory_space<semaphore_mem>>
      %dma_start3A = tpu.memref_slice %arg8[%mul3A_8] : memref<10240xf32, #tpu.memory_space<vmem_shared>> -> memref<640xf32, #tpu.memory_space<vmem_shared>>
      %dma_start3A_17 = tpu.memref_slice %arg8[%mul3A_8] : memref<10240xf32, #tpu.memory_space<vmem_shared>> -> memref<640xf32, #tpu.memory_space<vmem_shared>>
      tpu.enqueue_dma source(%arg7 : memref<640xf32, #tpu.memory_space<vmem>>) target(%dma_start3A_17 : memref<640xf32, #tpu.memory_space<vmem_shared>>) target_semaphore(%run_scoped3A : memref<!tpu.dma_semaphore, #tpu.memory_space<semaphore_mem>>)
      %dma_wait3A = tpu.memref_slice %arg8[%mul3A_8] : memref<10240xf32, #tpu.memory_space<vmem_shared>> -> memref<640xf32, #tpu.memory_space<vmem_shared>>
      %dma_wait3A_18 = tpu.memref_slice %arg8[%mul3A_8] : memref<10240xf32, #tpu.memory_space<vmem_shared>> -> memref<640xf32, #tpu.memory_space<vmem_shared>>
      tpu.wait_dma2 semaphore(%run_scoped3A : memref<!tpu.dma_semaphore, #tpu.memory_space<semaphore_mem>>) src(%arg7 : memref<640xf32, #tpu.memory_space<vmem>>) dst(%dma_wait3A_18 : memref<640xf32, #tpu.memory_space<vmem_shared>>)
      tpu.yield
    }) : () -> ()
    %barrier3A = arith.constant 0 : index
    tpu.barrier barrier_id(%barrier3A)
    %scan3A_9 = arith.constant 0 : i32
    %scan3A_10 = arith.constant 0 : i32
    %scan3A_11 = arith.constant 10 : i32
    %scan3A_12 = arith.addi %scan3A_10, %scan3A_11 : i32
    %scan3A_13 = arith.constant 1 : i32
    %scan3A_14 = scf.for %scan3A_17 = %scan3A_10 to %scan3A_12 step %scan3A_13 iter_args(%scan3A_18 = %scan3A_9) -> (i32)  : i32 {
      %mul3A_19 = arith.constant 8 : i32
      %mul3A_20 = arith.muli %scan3A_17, %mul3A_19 : i32
      %add3A_21 = arith.constant 0 : i32
      %add3A_22 = arith.addi %mul3A_20, %add3A_21 : i32
      %lt3A = arith.constant 79 : i32
      %lt3A_23 = arith.cmpi slt, %add3A_22, %lt3A : i32
      %convert_element_type3A = arith.extui %lt3A_23 : i1 to i32
      %cond3A = arith.constant 0 : i32
      %cond3A_24 = arith.cmpi ne, %convert_element_type3A, %cond3A : i32
      scf.if %cond3A_24 {
        %dma_start3A = arith.constant 0 : i32
        %dma_start3A_161 = tpu.memref_slice %arg5[%add3A_22, %dma_start3A] : memref<79x128xi32, #tpu.memory_space<vmem>> -> memref<1x128xi32, #tpu.memory_space<vmem>>
        %dma_start3A_162 = tpu.memref_squeeze %dma_start3A_161 : memref<1x128xi32, #tpu.memory_space<vmem>> -> memref<128xi32, #tpu.memory_space<vmem>>
        %dma_start3A_163 = arith.constant 0 : i32
        %dma_start3A_164 = tpu.memref_slice %arg8[%dma_start3A_163] : memref<10240xf32, #tpu.memory_space<vmem_shared>> -> memref<10240xf32, #tpu.memory_space<vmem_shared>>
        tpu.enqueue_indirect_dma source(%arg6 : memref<128xf32, #tpu.memory_space<vmem>>) target(%dma_start3A_164 : memref<10240xf32, #tpu.memory_space<vmem_shared>>) offsets(%dma_start3A_162 : memref<128xi32, #tpu.memory_space<vmem>>) semaphore(%arg9 : memref<!tpu.dma_semaphore, #tpu.memory_space<semaphore_mem>>) {add = true}
      } else {
      }
      %mul3A_25 = arith.constant 8 : i32
      %mul3A_26 = arith.muli %scan3A_17, %mul3A_25 : i32
      %add3A_27 = arith.constant 1 : i32
      %add3A_28 = arith.addi %mul3A_26, %add3A_27 : i32
      %lt3A_29 = arith.constant 79 : i32
      %lt3A_30 = arith.cmpi slt, %add3A_28, %lt3A_29 : i32
      %convert_element_type3A_31 = arith.extui %lt3A_30 : i1 to i32
      %cond3A_32 = arith.constant 0 : i32
      %cond3A_33 = arith.cmpi ne, %convert_element_type3A_31, %cond3A_32 : i32
      scf.if %cond3A_33 {
        %dma_start3A = arith.constant 0 : i32
        %dma_start3A_161 = tpu.memref_slice %arg5[%add3A_28, %dma_start3A] : memref<79x128xi32, #tpu.memory_space<vmem>> -> memref<1x128xi32, #tpu.memory_space<vmem>>
        %dma_start3A_162 = tpu.memref_squeeze %dma_start3A_161 : memref<1x128xi32, #tpu.memory_space<vmem>> -> memref<128xi32, #tpu.memory_space<vmem>>
        %dma_start3A_163 = arith.constant 0 : i32
        %dma_start3A_164 = tpu.memref_slice %arg8[%dma_start3A_163] : memref<10240xf32, #tpu.memory_space<vmem_shared>> -> memref<10240xf32, #tpu.memory_space<vmem_shared>>
        tpu.enqueue_indirect_dma source(%arg6 : memref<128xf32, #tpu.memory_space<vmem>>) target(%dma_start3A_164 : memref<10240xf32, #tpu.memory_space<vmem_shared>>) offsets(%dma_start3A_162 : memref<128xi32, #tpu.memory_space<vmem>>) semaphore(%arg9 : memref<!tpu.dma_semaphore, #tpu.memory_space<semaphore_mem>>) {add = true}
      } else {
      }
      %mul3A_34 = arith.constant 8 : i32
      %mul3A_35 = arith.muli %scan3A_17, %mul3A_34 : i32
      %add3A_36 = arith.constant 2 : i32
      %add3A_37 = arith.addi %mul3A_35, %add3A_36 : i32
      %lt3A_38 = arith.constant 79 : i32
      %lt3A_39 = arith.cmpi slt, %add3A_37, %lt3A_38 : i32
      %convert_element_type3A_40 = arith.extui %lt3A_39 : i1 to i32
      %cond3A_41 = arith.constant 0 : i32
      %cond3A_42 = arith.cmpi ne, %convert_element_type3A_40, %cond3A_41 : i32
      scf.if %cond3A_42 {
        %dma_start3A = arith.constant 0 : i32
        %dma_start3A_161 = tpu.memref_slice %arg5[%add3A_37, %dma_start3A] : memref<79x128xi32, #tpu.memory_space<vmem>> -> memref<1x128xi32, #tpu.memory_space<vmem>>
        %dma_start3A_162 = tpu.memref_squeeze %dma_start3A_161 : memref<1x128xi32, #tpu.memory_space<vmem>> -> memref<128xi32, #tpu.memory_space<vmem>>
        %dma_start3A_163 = arith.constant 0 : i32
        %dma_start3A_164 = tpu.memref_slice %arg8[%dma_start3A_163] : memref<10240xf32, #tpu.memory_space<vmem_shared>> -> memref<10240xf32, #tpu.memory_space<vmem_shared>>
        tpu.enqueue_indirect_dma source(%arg6 : memref<128xf32, #tpu.memory_space<vmem>>) target(%dma_start3A_164 : memref<10240xf32, #tpu.memory_space<vmem_shared>>) offsets(%dma_start3A_162 : memref<128xi32, #tpu.memory_space<vmem>>) semaphore(%arg9 : memref<!tpu.dma_semaphore, #tpu.memory_space<semaphore_mem>>) {add = true}
      } else {
      }
      %mul3A_43 = arith.constant 8 : i32
      %mul3A_44 = arith.muli %scan3A_17, %mul3A_43 : i32
      %add3A_45 = arith.constant 3 : i32
      %add3A_46 = arith.addi %mul3A_44, %add3A_45 : i32
      %lt3A_47 = arith.constant 79 : i32
      %lt3A_48 = arith.cmpi slt, %add3A_46, %lt3A_47 : i32
      %convert_element_type3A_49 = arith.extui %lt3A_48 : i1 to i32
      %cond3A_50 = arith.constant 0 : i32
      %cond3A_51 = arith.cmpi ne, %convert_element_type3A_49, %cond3A_50 : i32
      scf.if %cond3A_51 {
        %dma_start3A = arith.constant 0 : i32
        %dma_start3A_161 = tpu.memref_slice %arg5[%add3A_46, %dma_start3A] : memref<79x128xi32, #tpu.memory_space<vmem>> -> memref<1x128xi32, #tpu.memory_space<vmem>>
        %dma_start3A_162 = tpu.memref_squeeze %dma_start3A_161 : memref<1x128xi32, #tpu.memory_space<vmem>> -> memref<128xi32, #tpu.memory_space<vmem>>
        %dma_start3A_163 = arith.constant 0 : i32
        %dma_start3A_164 = tpu.memref_slice %arg8[%dma_start3A_163] : memref<10240xf32, #tpu.memory_space<vmem_shared>> -> memref<10240xf32, #tpu.memory_space<vmem_shared>>
        tpu.enqueue_indirect_dma source(%arg6 : memref<128xf32, #tpu.memory_space<vmem>>) target(%dma_start3A_164 : memref<10240xf32, #tpu.memory_space<vmem_shared>>) offsets(%dma_start3A_162 : memref<128xi32, #tpu.memory_space<vmem>>) semaphore(%arg9 : memref<!tpu.dma_semaphore, #tpu.memory_space<semaphore_mem>>) {add = true}
      } else {
      }
      %mul3A_52 = arith.constant 8 : i32
      %mul3A_53 = arith.muli %scan3A_17, %mul3A_52 : i32
      %add3A_54 = arith.constant 4 : i32
      %add3A_55 = arith.addi %mul3A_53, %add3A_54 : i32
      %lt3A_56 = arith.constant 79 : i32
      %lt3A_57 = arith.cmpi slt, %add3A_55, %lt3A_56 : i32
      %convert_element_type3A_58 = arith.extui %lt3A_57 : i1 to i32
      %cond3A_59 = arith.constant 0 : i32
      %cond3A_60 = arith.cmpi ne, %convert_element_type3A_58, %cond3A_59 : i32
      scf.if %cond3A_60 {
        %dma_start3A = arith.constant 0 : i32
        %dma_start3A_161 = tpu.memref_slice %arg5[%add3A_55, %dma_start3A] : memref<79x128xi32, #tpu.memory_space<vmem>> -> memref<1x128xi32, #tpu.memory_space<vmem>>
        %dma_start3A_162 = tpu.memref_squeeze %dma_start3A_161 : memref<1x128xi32, #tpu.memory_space<vmem>> -> memref<128xi32, #tpu.memory_space<vmem>>
        %dma_start3A_163 = arith.constant 0 : i32
        %dma_start3A_164 = tpu.memref_slice %arg8[%dma_start3A_163] : memref<10240xf32, #tpu.memory_space<vmem_shared>> -> memref<10240xf32, #tpu.memory_space<vmem_shared>>
        tpu.enqueue_indirect_dma source(%arg6 : memref<128xf32, #tpu.memory_space<vmem>>) target(%dma_start3A_164 : memref<10240xf32, #tpu.memory_space<vmem_shared>>) offsets(%dma_start3A_162 : memref<128xi32, #tpu.memory_space<vmem>>) semaphore(%arg9 : memref<!tpu.dma_semaphore, #tpu.memory_space<semaphore_mem>>) {add = true}
      } else {
      }
      %mul3A_61 = arith.constant 8 : i32
      %mul3A_62 = arith.muli %scan3A_17, %mul3A_61 : i32
      %add3A_63 = arith.constant 5 : i32
      %add3A_64 = arith.addi %mul3A_62, %add3A_63 : i32
      %lt3A_65 = arith.constant 79 : i32
      %lt3A_66 = arith.cmpi slt, %add3A_64, %lt3A_65 : i32
      %convert_element_type3A_67 = arith.extui %lt3A_66 : i1 to i32
      %cond3A_68 = arith.constant 0 : i32
      %cond3A_69 = arith.cmpi ne, %convert_element_type3A_67, %cond3A_68 : i32
      scf.if %cond3A_69 {
        %dma_start3A = arith.constant 0 : i32
        %dma_start3A_161 = tpu.memref_slice %arg5[%add3A_64, %dma_start3A] : memref<79x128xi32, #tpu.memory_space<vmem>> -> memref<1x128xi32, #tpu.memory_space<vmem>>
        %dma_start3A_162 = tpu.memref_squeeze %dma_start3A_161 : memref<1x128xi32, #tpu.memory_space<vmem>> -> memref<128xi32, #tpu.memory_space<vmem>>
        %dma_start3A_163 = arith.constant 0 : i32
        %dma_start3A_164 = tpu.memref_slice %arg8[%dma_start3A_163] : memref<10240xf32, #tpu.memory_space<vmem_shared>> -> memref<10240xf32, #tpu.memory_space<vmem_shared>>
        tpu.enqueue_indirect_dma source(%arg6 : memref<128xf32, #tpu.memory_space<vmem>>) target(%dma_start3A_164 : memref<10240xf32, #tpu.memory_space<vmem_shared>>) offsets(%dma_start3A_162 : memref<128xi32, #tpu.memory_space<vmem>>) semaphore(%arg9 : memref<!tpu.dma_semaphore, #tpu.memory_space<semaphore_mem>>) {add = true}
      } else {
      }
      %mul3A_70 = arith.constant 8 : i32
      %mul3A_71 = arith.muli %scan3A_17, %mul3A_70 : i32
      %add3A_72 = arith.constant 6 : i32
      %add3A_73 = arith.addi %mul3A_71, %add3A_72 : i32
      %lt3A_74 = arith.constant 79 : i32
      %lt3A_75 = arith.cmpi slt, %add3A_73, %lt3A_74 : i32
      %convert_element_type3A_76 = arith.extui %lt3A_75 : i1 to i32
      %cond3A_77 = arith.constant 0 : i32
      %cond3A_78 = arith.cmpi ne, %convert_element_type3A_76, %cond3A_77 : i32
      scf.if %cond3A_78 {
        %dma_start3A = arith.constant 0 : i32
        %dma_start3A_161 = tpu.memref_slice %arg5[%add3A_73, %dma_start3A] : memref<79x128xi32, #tpu.memory_space<vmem>> -> memref<1x128xi32, #tpu.memory_space<vmem>>
        %dma_start3A_162 = tpu.memref_squeeze %dma_start3A_161 : memref<1x128xi32, #tpu.memory_space<vmem>> -> memref<128xi32, #tpu.memory_space<vmem>>
        %dma_start3A_163 = arith.constant 0 : i32
        %dma_start3A_164 = tpu.memref_slice %arg8[%dma_start3A_163] : memref<10240xf32, #tpu.memory_space<vmem_shared>> -> memref<10240xf32, #tpu.memory_space<vmem_shared>>
        tpu.enqueue_indirect_dma source(%arg6 : memref<128xf32, #tpu.memory_space<vmem>>) target(%dma_start3A_164 : memref<10240xf32, #tpu.memory_space<vmem_shared>>) offsets(%dma_start3A_162 : memref<128xi32, #tpu.memory_space<vmem>>) semaphore(%arg9 : memref<!tpu.dma_semaphore, #tpu.memory_space<semaphore_mem>>) {add = true}
      } else {
      }
      %mul3A_79 = arith.constant 8 : i32
      %mul3A_80 = arith.muli %scan3A_17, %mul3A_79 : i32
      %add3A_81 = arith.constant 7 : i32
      %add3A_82 = arith.addi %mul3A_80, %add3A_81 : i32
      %lt3A_83 = arith.constant 79 : i32
      %lt3A_84 = arith.cmpi slt, %add3A_82, %lt3A_83 : i32
      %convert_element_type3A_85 = arith.extui %lt3A_84 : i1 to i32
      %cond3A_86 = arith.constant 0 : i32
      %cond3A_87 = arith.cmpi ne, %convert_element_type3A_85, %cond3A_86 : i32
      scf.if %cond3A_87 {
        %dma_start3A = arith.constant 0 : i32
        %dma_start3A_161 = tpu.memref_slice %arg5[%add3A_82, %dma_start3A] : memref<79x128xi32, #tpu.memory_space<vmem>> -> memref<1x128xi32, #tpu.memory_space<vmem>>
        %dma_start3A_162 = tpu.memref_squeeze %dma_start3A_161 : memref<1x128xi32, #tpu.memory_space<vmem>> -> memref<128xi32, #tpu.memory_space<vmem>>
        %dma_start3A_163 = arith.constant 0 : i32
        %dma_start3A_164 = tpu.memref_slice %arg8[%dma_start3A_163] : memref<10240xf32, #tpu.memory_space<vmem_shared>> -> memref<10240xf32, #tpu.memory_space<vmem_shared>>
        tpu.enqueue_indirect_dma source(%arg6 : memref<128xf32, #tpu.memory_space<vmem>>) target(%dma_start3A_164 : memref<10240xf32, #tpu.memory_space<vmem_shared>>) offsets(%dma_start3A_162 : memref<128xi32, #tpu.memory_space<vmem>>) semaphore(%arg9 : memref<!tpu.dma_semaphore, #tpu.memory_space<semaphore_mem>>) {add = true}
      } else {
      }
      %mul3A_88 = arith.constant 8 : i32
      %mul3A_89 = arith.muli %scan3A_17, %mul3A_88 : i32
      %add3A_90 = arith.constant 0 : i32
      %add3A_91 = arith.addi %mul3A_89, %add3A_90 : i32
      %lt3A_92 = arith.constant 79 : i32
      %lt3A_93 = arith.cmpi slt, %add3A_91, %lt3A_92 : i32
      %convert_element_type3A_94 = arith.extui %lt3A_93 : i1 to i32
      %cond3A_95 = arith.constant 0 : i32
      %cond3A_96 = arith.cmpi ne, %convert_element_type3A_94, %cond3A_95 : i32
      scf.if %cond3A_96 {
        %dma_wait3A = arith.constant 0 : i32
        %dma_wait3A_161 = tpu.memref_slice %arg5[%add3A_91, %dma_wait3A] : memref<79x128xi32, #tpu.memory_space<vmem>> -> memref<1x128xi32, #tpu.memory_space<vmem>>
        %dma_wait3A_162 = tpu.memref_squeeze %dma_wait3A_161 : memref<1x128xi32, #tpu.memory_space<vmem>> -> memref<128xi32, #tpu.memory_space<vmem>>
        %dma_wait3A_163 = arith.constant 0 : i32
        %dma_wait3A_164 = tpu.memref_slice %arg8[%dma_wait3A_163] : memref<10240xf32, #tpu.memory_space<vmem_shared>> -> memref<10240xf32, #tpu.memory_space<vmem_shared>>
        tpu.wait_indirect_dma semaphore(%arg9 : memref<!tpu.dma_semaphore, #tpu.memory_space<semaphore_mem>>) src(%arg6 : memref<128xf32, #tpu.memory_space<vmem>>) dst(%dma_wait3A_164 : memref<10240xf32, #tpu.memory_space<vmem_shared>>)
      } else {
      }
      %mul3A_97 = arith.constant 8 : i32
      %mul3A_98 = arith.muli %scan3A_17, %mul3A_97 : i32
      %add3A_99 = arith.constant 1 : i32
      %add3A_100 = arith.addi %mul3A_98, %add3A_99 : i32
      %lt3A_101 = arith.constant 79 : i32
      %lt3A_102 = arith.cmpi slt, %add3A_100, %lt3A_101 : i32
      %convert_element_type3A_103 = arith.extui %lt3A_102 : i1 to i32
      %cond3A_104 = arith.constant 0 : i32
      %cond3A_105 = arith.cmpi ne, %convert_element_type3A_103, %cond3A_104 : i32
      scf.if %cond3A_105 {
        %dma_wait3A = arith.constant 0 : i32
        %dma_wait3A_161 = tpu.memref_slice %arg5[%add3A_100, %dma_wait3A] : memref<79x128xi32, #tpu.memory_space<vmem>> -> memref<1x128xi32, #tpu.memory_space<vmem>>
        %dma_wait3A_162 = tpu.memref_squeeze %dma_wait3A_161 : memref<1x128xi32, #tpu.memory_space<vmem>> -> memref<128xi32, #tpu.memory_space<vmem>>
        %dma_wait3A_163 = arith.constant 0 : i32
        %dma_wait3A_164 = tpu.memref_slice %arg8[%dma_wait3A_163] : memref<10240xf32, #tpu.memory_space<vmem_shared>> -> memref<10240xf32, #tpu.memory_space<vmem_shared>>
        tpu.wait_indirect_dma semaphore(%arg9 : memref<!tpu.dma_semaphore, #tpu.memory_space<semaphore_mem>>) src(%arg6 : memref<128xf32, #tpu.memory_space<vmem>>) dst(%dma_wait3A_164 : memref<10240xf32, #tpu.memory_space<vmem_shared>>)
      } else {
      }
      %mul3A_106 = arith.constant 8 : i32
      %mul3A_107 = arith.muli %scan3A_17, %mul3A_106 : i32
      %add3A_108 = arith.constant 2 : i32
      %add3A_109 = arith.addi %mul3A_107, %add3A_108 : i32
      %lt3A_110 = arith.constant 79 : i32
      %lt3A_111 = arith.cmpi slt, %add3A_109, %lt3A_110 : i32
      %convert_element_type3A_112 = arith.extui %lt3A_111 : i1 to i32
      %cond3A_113 = arith.constant 0 : i32
      %cond3A_114 = arith.cmpi ne, %convert_element_type3A_112, %cond3A_113 : i32
      scf.if %cond3A_114 {
        %dma_wait3A = arith.constant 0 : i32
        %dma_wait3A_161 = tpu.memref_slice %arg5[%add3A_109, %dma_wait3A] : memref<79x128xi32, #tpu.memory_space<vmem>> -> memref<1x128xi32, #tpu.memory_space<vmem>>
        %dma_wait3A_162 = tpu.memref_squeeze %dma_wait3A_161 : memref<1x128xi32, #tpu.memory_space<vmem>> -> memref<128xi32, #tpu.memory_space<vmem>>
        %dma_wait3A_163 = arith.constant 0 : i32
        %dma_wait3A_164 = tpu.memref_slice %arg8[%dma_wait3A_163] : memref<10240xf32, #tpu.memory_space<vmem_shared>> -> memref<10240xf32, #tpu.memory_space<vmem_shared>>
        tpu.wait_indirect_dma semaphore(%arg9 : memref<!tpu.dma_semaphore, #tpu.memory_space<semaphore_mem>>) src(%arg6 : memref<128xf32, #tpu.memory_space<vmem>>) dst(%dma_wait3A_164 : memref<10240xf32, #tpu.memory_space<vmem_shared>>)
      } else {
      }
      %mul3A_115 = arith.constant 8 : i32
      %mul3A_116 = arith.muli %scan3A_17, %mul3A_115 : i32
      %add3A_117 = arith.constant 3 : i32
      %add3A_118 = arith.addi %mul3A_116, %add3A_117 : i32
      %lt3A_119 = arith.constant 79 : i32
      %lt3A_120 = arith.cmpi slt, %add3A_118, %lt3A_119 : i32
      %convert_element_type3A_121 = arith.extui %lt3A_120 : i1 to i32
      %cond3A_122 = arith.constant 0 : i32
      %cond3A_123 = arith.cmpi ne, %convert_element_type3A_121, %cond3A_122 : i32
      scf.if %cond3A_123 {
        %dma_wait3A = arith.constant 0 : i32
        %dma_wait3A_161 = tpu.memref_slice %arg5[%add3A_118, %dma_wait3A] : memref<79x128xi32, #tpu.memory_space<vmem>> -> memref<1x128xi32, #tpu.memory_space<vmem>>
        %dma_wait3A_162 = tpu.memref_squeeze %dma_wait3A_161 : memref<1x128xi32, #tpu.memory_space<vmem>> -> memref<128xi32, #tpu.memory_space<vmem>>
        %dma_wait3A_163 = arith.constant 0 : i32
        %dma_wait3A_164 = tpu.memref_slice %arg8[%dma_wait3A_163] : memref<10240xf32, #tpu.memory_space<vmem_shared>> -> memref<10240xf32, #tpu.memory_space<vmem_shared>>
        tpu.wait_indirect_dma semaphore(%arg9 : memref<!tpu.dma_semaphore, #tpu.memory_space<semaphore_mem>>) src(%arg6 : memref<128xf32, #tpu.memory_space<vmem>>) dst(%dma_wait3A_164 : memref<10240xf32, #tpu.memory_space<vmem_shared>>)
      } else {
      }
      %mul3A_124 = arith.constant 8 : i32
      %mul3A_125 = arith.muli %scan3A_17, %mul3A_124 : i32
      %add3A_126 = arith.constant 4 : i32
      %add3A_127 = arith.addi %mul3A_125, %add3A_126 : i32
      %lt3A_128 = arith.constant 79 : i32
      %lt3A_129 = arith.cmpi slt, %add3A_127, %lt3A_128 : i32
      %convert_element_type3A_130 = arith.extui %lt3A_129 : i1 to i32
      %cond3A_131 = arith.constant 0 : i32
      %cond3A_132 = arith.cmpi ne, %convert_element_type3A_130, %cond3A_131 : i32
      scf.if %cond3A_132 {
        %dma_wait3A = arith.constant 0 : i32
        %dma_wait3A_161 = tpu.memref_slice %arg5[%add3A_127, %dma_wait3A] : memref<79x128xi32, #tpu.memory_space<vmem>> -> memref<1x128xi32, #tpu.memory_space<vmem>>
        %dma_wait3A_162 = tpu.memref_squeeze %dma_wait3A_161 : memref<1x128xi32, #tpu.memory_space<vmem>> -> memref<128xi32, #tpu.memory_space<vmem>>
        %dma_wait3A_163 = arith.constant 0 : i32
        %dma_wait3A_164 = tpu.memref_slice %arg8[%dma_wait3A_163] : memref<10240xf32, #tpu.memory_space<vmem_shared>> -> memref<10240xf32, #tpu.memory_space<vmem_shared>>
        tpu.wait_indirect_dma semaphore(%arg9 : memref<!tpu.dma_semaphore, #tpu.memory_space<semaphore_mem>>) src(%arg6 : memref<128xf32, #tpu.memory_space<vmem>>) dst(%dma_wait3A_164 : memref<10240xf32, #tpu.memory_space<vmem_shared>>)
      } else {
      }
      %mul3A_133 = arith.constant 8 : i32
      %mul3A_134 = arith.muli %scan3A_17, %mul3A_133 : i32
      %add3A_135 = arith.constant 5 : i32
      %add3A_136 = arith.addi %mul3A_134, %add3A_135 : i32
      %lt3A_137 = arith.constant 79 : i32
      %lt3A_138 = arith.cmpi slt, %add3A_136, %lt3A_137 : i32
      %convert_element_type3A_139 = arith.extui %lt3A_138 : i1 to i32
      %cond3A_140 = arith.constant 0 : i32
      %cond3A_141 = arith.cmpi ne, %convert_element_type3A_139, %cond3A_140 : i32
      scf.if %cond3A_141 {
        %dma_wait3A = arith.constant 0 : i32
        %dma_wait3A_161 = tpu.memref_slice %arg5[%add3A_136, %dma_wait3A] : memref<79x128xi32, #tpu.memory_space<vmem>> -> memref<1x128xi32, #tpu.memory_space<vmem>>
        %dma_wait3A_162 = tpu.memref_squeeze %dma_wait3A_161 : memref<1x128xi32, #tpu.memory_space<vmem>> -> memref<128xi32, #tpu.memory_space<vmem>>
        %dma_wait3A_163 = arith.constant 0 : i32
        %dma_wait3A_164 = tpu.memref_slice %arg8[%dma_wait3A_163] : memref<10240xf32, #tpu.memory_space<vmem_shared>> -> memref<10240xf32, #tpu.memory_space<vmem_shared>>
        tpu.wait_indirect_dma semaphore(%arg9 : memref<!tpu.dma_semaphore, #tpu.memory_space<semaphore_mem>>) src(%arg6 : memref<128xf32, #tpu.memory_space<vmem>>) dst(%dma_wait3A_164 : memref<10240xf32, #tpu.memory_space<vmem_shared>>)
      } else {
      }
      %mul3A_142 = arith.constant 8 : i32
      %mul3A_143 = arith.muli %scan3A_17, %mul3A_142 : i32
      %add3A_144 = arith.constant 6 : i32
      %add3A_145 = arith.addi %mul3A_143, %add3A_144 : i32
      %lt3A_146 = arith.constant 79 : i32
      %lt3A_147 = arith.cmpi slt, %add3A_145, %lt3A_146 : i32
      %convert_element_type3A_148 = arith.extui %lt3A_147 : i1 to i32
      %cond3A_149 = arith.constant 0 : i32
      %cond3A_150 = arith.cmpi ne, %convert_element_type3A_148, %cond3A_149 : i32
      scf.if %cond3A_150 {
        %dma_wait3A = arith.constant 0 : i32
        %dma_wait3A_161 = tpu.memref_slice %arg5[%add3A_145, %dma_wait3A] : memref<79x128xi32, #tpu.memory_space<vmem>> -> memref<1x128xi32, #tpu.memory_space<vmem>>
        %dma_wait3A_162 = tpu.memref_squeeze %dma_wait3A_161 : memref<1x128xi32, #tpu.memory_space<vmem>> -> memref<128xi32, #tpu.memory_space<vmem>>
        %dma_wait3A_163 = arith.constant 0 : i32
        %dma_wait3A_164 = tpu.memref_slice %arg8[%dma_wait3A_163] : memref<10240xf32, #tpu.memory_space<vmem_shared>> -> memref<10240xf32, #tpu.memory_space<vmem_shared>>
        tpu.wait_indirect_dma semaphore(%arg9 : memref<!tpu.dma_semaphore, #tpu.memory_space<semaphore_mem>>) src(%arg6 : memref<128xf32, #tpu.memory_space<vmem>>) dst(%dma_wait3A_164 : memref<10240xf32, #tpu.memory_space<vmem_shared>>)
      } else {
      }
      %mul3A_151 = arith.constant 8 : i32
      %mul3A_152 = arith.muli %scan3A_17, %mul3A_151 : i32
      %add3A_153 = arith.constant 7 : i32
      %add3A_154 = arith.addi %mul3A_152, %add3A_153 : i32
      %lt3A_155 = arith.constant 79 : i32
      %lt3A_156 = arith.cmpi slt, %add3A_154, %lt3A_155 : i32
      %convert_element_type3A_157 = arith.extui %lt3A_156 : i1 to i32
      %cond3A_158 = arith.constant 0 : i32
      %cond3A_159 = arith.cmpi ne, %convert_element_type3A_157, %cond3A_158 : i32
      scf.if %cond3A_159 {
        %dma_wait3A = arith.constant 0 : i32
        %dma_wait3A_161 = tpu.memref_slice %arg5[%add3A_154, %dma_wait3A] : memref<79x128xi32, #tpu.memory_space<vmem>> -> memref<1x128xi32, #tpu.memory_space<vmem>>
        %dma_wait3A_162 = tpu.memref_squeeze %dma_wait3A_161 : memref<1x128xi32, #tpu.memory_space<vmem>> -> memref<128xi32, #tpu.memory_space<vmem>>
        %dma_wait3A_163 = arith.constant 0 : i32
        %dma_wait3A_164 = tpu.memref_slice %arg8[%dma_wait3A_163] : memref<10240xf32, #tpu.memory_space<vmem_shared>> -> memref<10240xf32, #tpu.memory_space<vmem_shared>>
        tpu.wait_indirect_dma semaphore(%arg9 : memref<!tpu.dma_semaphore, #tpu.memory_space<semaphore_mem>>) src(%arg6 : memref<128xf32, #tpu.memory_space<vmem>>) dst(%dma_wait3A_164 : memref<10240xf32, #tpu.memory_space<vmem_shared>>)
      } else {
      }
      %scan3A_160 = arith.constant 0 : i32
      scf.yield %scan3A_160 : i32
    }
    %scan3A_15 = arith.constant 10 : i32
    %barrier3A_16 = arith.constant 0 : index
    tpu.barrier barrier_id(%barrier3A_16)
    "tpu.region"() ({
      %run_scoped3A = tpu.sem_alloc : memref<!tpu.dma_semaphore, #tpu.memory_space<semaphore_mem>>
      %dma_start3A = tpu.memref_slice %arg4[%arg0, %mul3A_8] : memref<2x10240xf32, #tpu.memory_space<hbm>> -> memref<1x640xf32, #tpu.memory_space<hbm>>
      %dma_start3A_17 = tpu.memref_squeeze %dma_start3A : memref<1x640xf32, #tpu.memory_space<hbm>> -> memref<640xf32, #tpu.memory_space<hbm>>
      %dma_start3A_18 = tpu.memref_slice %arg8[%mul3A_8] : memref<10240xf32, #tpu.memory_space<vmem_shared>> -> memref<640xf32, #tpu.memory_space<vmem_shared>>
      tpu.enqueue_dma source(%dma_start3A_18 : memref<640xf32, #tpu.memory_space<vmem_shared>>) target(%dma_start3A_17 : memref<640xf32, #tpu.memory_space<hbm>>) target_semaphore(%run_scoped3A : memref<!tpu.dma_semaphore, #tpu.memory_space<semaphore_mem>>)
      %dma_wait3A = tpu.memref_slice %arg4[%arg0, %mul3A_8] : memref<2x10240xf32, #tpu.memory_space<hbm>> -> memref<1x640xf32, #tpu.memory_space<hbm>>
      %dma_wait3A_19 = tpu.memref_squeeze %dma_wait3A : memref<1x640xf32, #tpu.memory_space<hbm>> -> memref<640xf32, #tpu.memory_space<hbm>>
      %dma_wait3A_20 = tpu.memref_slice %arg8[%mul3A_8] : memref<10240xf32, #tpu.memory_space<vmem_shared>> -> memref<640xf32, #tpu.memory_space<vmem_shared>>
      tpu.wait_dma2 semaphore(%run_scoped3A : memref<!tpu.dma_semaphore, #tpu.memory_space<semaphore_mem>>) src(%dma_wait3A_20 : memref<640xf32, #tpu.memory_space<vmem_shared>>) dst(%dma_wait3A_19 : memref<640xf32, #tpu.memory_space<hbm>>)
      tpu.yield
    }) : () -> ()
    return
  }
}

module attributes {stable_mosaic.version = 14 : i64} {
  func.func @_mm_body(%arg0: i32, %arg1: memref<128x128xf32, #tpu.memory_space<vmem>>, %arg2: memref<128x128xf32, #tpu.memory_space<vmem>>, %arg3: memref<8x128xf32, #tpu.memory_space<vmem>>, %arg4: memref<1x1x128xf32, #tpu.memory_space<vmem>>, %arg5: memref<1x1x128xf32, #tpu.memory_space<vmem>>, %arg6: memref<128x128xf32, #tpu.memory_space<vmem>>, %arg7: memref<128x128xf32, #tpu.memory_space<vmem>>, %arg8: memref<1x1x128xf32, #tpu.memory_space<vmem>>) attributes {dimension_semantics = [#tpu.dimension_semantics<arbitrary>], iteration_bounds = array<i64: 80>, scalar_prefetch = 0 : i64, scratch_operands = 0 : i64, tpu.core_type = #tpu.core_type<tc>, window_params = [{transform_indices = @transform_0, window_bounds = array<i64: 128, 128>}, {pipeline_mode = #tpu.pipeline_mode<synchronous>, transform_indices = @transform_1, window_bounds = array<i64: 128, 128>}, {pipeline_mode = #tpu.pipeline_mode<synchronous>, transform_indices = @transform_2, window_bounds = array<i64: 8, 128>}, {transform_indices = @transform_3, window_bounds = array<i64: 1, 1, 128>}, {transform_indices = @transform_4, window_bounds = array<i64: 1, 1, 128>}, {transform_indices = @transform_5, window_bounds = array<i64: 128, 128>}, {transform_indices = @transform_6, window_bounds = array<i64: 128, 128>}, {transform_indices = @transform_7, window_bounds = array<i64: 1, 1, 128>}]} {
    %get3A = arith.constant 0 : index
    %get3A_0 = arith.constant 0 : index
    %get3A_1 = vector.load %arg1[%get3A, %get3A_0] : memref<128x128xf32, #tpu.memory_space<vmem>>, vector<128x128xf32>
    %get3A_2 = arith.constant 0 : index
    %get3A_3 = arith.constant 0 : index
    %get3A_4 = vector.load %arg2[%get3A_2, %get3A_3] : memref<128x128xf32, #tpu.memory_space<vmem>>, vector<128x128xf32>
    %dot_general3A = arith.constant dense<0.000000e+00> : vector<128x128xf32>
    %dot_general3A_5 = tpu.matmul %get3A_1, %get3A_4, %dot_general3A {dimension_numbers = #tpu.dot_dimension_numbers<[1], [1], [0], [0], [0, 0, 1, 0], [], []>, transpose_lhs_hint = false} : vector<128x128xf32>, vector<128x128xf32>, vector<128x128xf32> -> vector<128x128xf32>
    %get3A_6 = arith.constant 0 : index
    %get3A_7 = arith.constant 0 : index
    %get3A_8 = vector.load %arg3[%get3A_6, %get3A_7] : memref<8x128xf32, #tpu.memory_space<vmem>>, vector<1x128xf32>
    %get3A_9 = vector.shape_cast %get3A_8 : vector<1x128xf32> to vector<128xf32>
    %broadcast_in_dim3A = vector.shape_cast %get3A_9 : vector<128xf32> to vector<1x128xf32>
    %add3A = vector.broadcast %broadcast_in_dim3A : vector<1x128xf32> to vector<128x128xf32>
    %add3A_10 = arith.addf %dot_general3A_5, %add3A : vector<128x128xf32>
    %get3A_11 = arith.constant 0 : index
    %get3A_12 = arith.constant 0 : index
    %get3A_13 = arith.constant 0 : index
    %get3A_14 = vector.load %arg4[%get3A_11, %get3A_12, %get3A_13] : memref<1x1x128xf32, #tpu.memory_space<vmem>>, vector<1x1x128xf32>
    %get3A_15 = vector.shape_cast %get3A_14 : vector<1x1x128xf32> to vector<128xf32>
    %add3A_16 = arith.constant 1.000000e+00 : f32
    %add3A_17 = vector.broadcast %add3A_16 : f32 to vector<128xf32>
    %add3A_18 = arith.addf %add3A_17, %get3A_15 : vector<128xf32>
    %get3A_19 = arith.constant 0 : index
    %get3A_20 = arith.constant 0 : index
    %get3A_21 = arith.constant 0 : index
    %get3A_22 = vector.load %arg5[%get3A_19, %get3A_20, %get3A_21] : memref<1x1x128xf32, #tpu.memory_space<vmem>>, vector<1x1x128xf32>
    %get3A_23 = vector.shape_cast %get3A_22 : vector<1x1x128xf32> to vector<128xf32>
    %add3A_24 = arith.addf %add3A_18, %get3A_23 : vector<128xf32>
    %rsqrt3A = math.rsqrt %add3A_24 : vector<128xf32>
    %swap3A = arith.constant 0 : index
    %swap3A_25 = arith.constant 0 : index
    %swap3A_26 = arith.constant 0 : index
    %swap3A_27 = vector.load %arg8[%swap3A, %swap3A_25, %swap3A_26] : memref<1x1x128xf32, #tpu.memory_space<vmem>>, vector<1x1x128xf32>
    %swap3A_28 = vector.shape_cast %swap3A_27 : vector<1x1x128xf32> to vector<128xf32>
    %swap3A_29 = vector.shape_cast %rsqrt3A : vector<128xf32> to vector<1x1x128xf32>
    tpu.vector_store %arg8[%swap3A, %swap3A_25, %swap3A_26], %swap3A_29 {strides = array<i32>} : memref<1x1x128xf32, #tpu.memory_space<vmem>>, vector<1x1x128xf32>,
    %swap3A_30 = arith.constant 0 : index
    %swap3A_31 = arith.constant 0 : index
    %swap3A_32 = vector.load %arg6[%swap3A_30, %swap3A_31] : memref<128x128xf32, #tpu.memory_space<vmem>>, vector<128x128xf32>
    tpu.vector_store %arg6[%swap3A_30, %swap3A_31], %add3A_10 {strides = array<i32>} : memref<128x128xf32, #tpu.memory_space<vmem>>, vector<128x128xf32>,
    %broadcast_in_dim3A_33 = vector.shape_cast %rsqrt3A : vector<128xf32> to vector<128x1xf32>
    %mul3A = vector.broadcast %broadcast_in_dim3A_33 : vector<128x1xf32> to vector<128x128xf32>
    %mul3A_34 = arith.mulf %add3A_10, %mul3A : vector<128x128xf32>
    %swap3A_35 = arith.constant 0 : index
    %swap3A_36 = arith.constant 0 : index
    %swap3A_37 = vector.load %arg7[%swap3A_35, %swap3A_36] : memref<128x128xf32, #tpu.memory_space<vmem>>, vector<128x128xf32>
    tpu.vector_store %arg7[%swap3A_35, %swap3A_36], %mul3A_34 {strides = array<i32>} : memref<128x128xf32, #tpu.memory_space<vmem>>, vector<128x128xf32>,
    return
  }
  func.func @transform_0(%arg0: i32) -> (i32, i32) {
    %c0_i32 = arith.constant 0 : i32
    %c0_i32_0 = arith.constant 0 : i32
    return %arg0, %c0_i32 : i32, i32
  }
  func.func @transform_1(%arg0: i32) -> (i32, i32) {
    %c0_i32 = arith.constant 0 : i32
    %c0_i32_0 = arith.constant 0 : i32
    %c0_i32_1 = arith.constant 0 : i32
    return %c0_i32, %c0_i32_0 : i32, i32
  }
  func.func @transform_2(%arg0: i32) -> (i32, i32) {
    %c0_i32 = arith.constant 0 : i32
    %c0_i32_0 = arith.constant 0 : i32
    %c0_i32_1 = arith.constant 0 : i32
    return %c0_i32, %c0_i32_0 : i32, i32
  }
  func.func @transform_3(%arg0: i32) -> (i32, i32, i32) {
    %c0_i32 = arith.constant 0 : i32
    %c0_i32_0 = arith.constant 0 : i32
    %c0_i32_1 = arith.constant 0 : i32
    return %arg0, %c0_i32, %c0_i32_0 : i32, i32, i32
  }
  func.func @transform_4(%arg0: i32) -> (i32, i32, i32) {
    %c0_i32 = arith.constant 0 : i32
    %c0_i32_0 = arith.constant 0 : i32
    %c0_i32_1 = arith.constant 0 : i32
    return %arg0, %c0_i32, %c0_i32_0 : i32, i32, i32
  }
  func.func @transform_5(%arg0: i32) -> (i32, i32) {
    %c0_i32 = arith.constant 0 : i32
    %c0_i32_0 = arith.constant 0 : i32
    return %arg0, %c0_i32 : i32, i32
  }
  func.func @transform_6(%arg0: i32) -> (i32, i32) {
    %c0_i32 = arith.constant 0 : i32
    %c0_i32_0 = arith.constant 0 : i32
    return %arg0, %c0_i32 : i32, i32
  }
  func.func @transform_7(%arg0: i32) -> (i32, i32, i32) {
    %c0_i32 = arith.constant 0 : i32
    %c0_i32_0 = arith.constant 0 : i32
    %c0_i32_1 = arith.constant 0 : i32
    return %arg0, %c0_i32, %c0_i32_0 : i32, i32, i32
  }
}

module attributes {stable_mosaic.version = 14 : i64} {
  func.func @_comb_body(%arg0: i32, %arg1: memref<128x128xf32, #tpu.memory_space<vmem>>, %arg2: memref<128x128xf32, #tpu.memory_space<vmem>>, %arg3: memref<128x128xf32, #tpu.memory_space<vmem>>, %arg4: memref<1x1x128xf32, #tpu.memory_space<vmem>>, %arg5: memref<128x128xf32, #tpu.memory_space<vmem>>) attributes {dimension_semantics = [#tpu.dimension_semantics<arbitrary>], iteration_bounds = array<i64: 80>, scalar_prefetch = 0 : i64, scratch_operands = 0 : i64, tpu.core_type = #tpu.core_type<tc>, window_params = [{transform_indices = @transform_0, window_bounds = array<i64: 128, 128>}, {transform_indices = @transform_1, window_bounds = array<i64: 128, 128>}, {transform_indices = @transform_2, window_bounds = array<i64: 128, 128>}, {transform_indices = @transform_3, window_bounds = array<i64: 1, 1, 128>}, {transform_indices = @transform_4, window_bounds = array<i64: 128, 128>}]} {
    %get3A = arith.constant 0 : index
    %get3A_0 = arith.constant 0 : index
    %get3A_1 = vector.load %arg1[%get3A, %get3A_0] : memref<128x128xf32, #tpu.memory_space<vmem>>, vector<128x128xf32>
    %get3A_2 = arith.constant 0 : index
    %get3A_3 = arith.constant 0 : index
    %get3A_4 = vector.load %arg2[%get3A_2, %get3A_3] : memref<128x128xf32, #tpu.memory_space<vmem>>, vector<128x128xf32>
    %get3A_5 = arith.constant 0 : index
    %get3A_6 = arith.constant 0 : index
    %get3A_7 = vector.load %arg3[%get3A_5, %get3A_6] : memref<128x128xf32, #tpu.memory_space<vmem>>, vector<128x128xf32>
    %add3A = arith.addf %get3A_4, %get3A_7 : vector<128x128xf32>
    %get3A_8 = arith.constant 0 : index
    %get3A_9 = arith.constant 0 : index
    %get3A_10 = arith.constant 0 : index
    %get3A_11 = vector.load %arg4[%get3A_8, %get3A_9, %get3A_10] : memref<1x1x128xf32, #tpu.memory_space<vmem>>, vector<1x1x128xf32>
    %get3A_12 = vector.shape_cast %get3A_11 : vector<1x1x128xf32> to vector<128xf32>
    %mul3A = arith.constant 0.949999988 : f32
    %mul3A_13 = vector.broadcast %mul3A : f32 to vector<128x128xf32>
    %mul3A_14 = arith.mulf %mul3A_13, %get3A_1 : vector<128x128xf32>
    %broadcast_in_dim3A = vector.shape_cast %get3A_12 : vector<128xf32> to vector<128x1xf32>
    %mul3A_15 = vector.broadcast %broadcast_in_dim3A : vector<128x1xf32> to vector<128x128xf32>
    %mul3A_16 = arith.mulf %mul3A_15, %add3A : vector<128x128xf32>
    %mul3A_17 = arith.constant 5.000000e-02 : f32
    %mul3A_18 = vector.broadcast %mul3A_17 : f32 to vector<128x128xf32>
    %mul3A_19 = arith.mulf %mul3A_18, %mul3A_16 : vector<128x128xf32>
    %add3A_20 = arith.addf %mul3A_14, %mul3A_19 : vector<128x128xf32>
    %max3A = arith.constant 0.000000e+00 : f32
    %max3A_21 = vector.broadcast %max3A : f32 to vector<128x128xf32>
    %max3A_22 = arith.maximumf %get3A_1, %max3A_21 : vector<128x128xf32>
    %mul3A_23 = arith.constant 1.500000e+00 : f32
    %mul3A_24 = vector.broadcast %mul3A_23 : f32 to vector<128x128xf32>
    %mul3A_25 = arith.mulf %mul3A_24, %max3A_22 : vector<128x128xf32>
    %add3A_26 = arith.addf %add3A_20, %mul3A_25 : vector<128x128xf32>
    %swap3A = arith.constant 0 : index
    %swap3A_27 = arith.constant 0 : index
    %swap3A_28 = vector.load %arg5[%swap3A, %swap3A_27] : memref<128x128xf32, #tpu.memory_space<vmem>>, vector<128x128xf32>
    tpu.vector_store %arg5[%swap3A, %swap3A_27], %add3A_26 {strides = array<i32>} : memref<128x128xf32, #tpu.memory_space<vmem>>, vector<128x128xf32>,
    return
  }
  func.func @transform_0(%arg0: i32) -> (i32, i32) {
    %c0_i32 = arith.constant 0 : i32
    %c0_i32_0 = arith.constant 0 : i32
    return %arg0, %c0_i32 : i32, i32
  }
  func.func @transform_1(%arg0: i32) -> (i32, i32) {
    %c0_i32 = arith.constant 0 : i32
    %c0_i32_0 = arith.constant 0 : i32
    return %arg0, %c0_i32 : i32, i32
  }
  func.func @transform_2(%arg0: i32) -> (i32, i32) {
    %c0_i32 = arith.constant 0 : i32
    %c0_i32_0 = arith.constant 0 : i32
    return %arg0, %c0_i32 : i32, i32
  }
  func.func @transform_3(%arg0: i32) -> (i32, i32, i32) {
    %c0_i32 = arith.constant 0 : i32
    %c0_i32_0 = arith.constant 0 : i32
    %c0_i32_1 = arith.constant 0 : i32
    return %arg0, %c0_i32, %c0_i32_0 : i32, i32, i32
  }
  func.func @transform_4(%arg0: i32) -> (i32, i32) {
    %c0_i32 = arith.constant 0 : i32
    %c0_i32_0 = arith.constant 0 : i32
    return %arg0, %c0_i32 : i32, i32
  }
}

</mosaic_0001>

<sc_bundles>
// kernel: kernel.6.cloned.1.call-start
scs
__scs_entry_jumppad:
0x0: {  	(pc) =	sbr.rel $0x88, $3  }
0x1: {  	(tag) =	ssettag $0x0;
	lr =	simm.s32 $0x1  }
0x2: {  	[smem:$0x3F9D] =	sst lr;
	_ =	strace $0xD0000000  }
0x3: {  	_ = 	snop  }
0x4: {  	_ = 	snop  }
0x5: {  	_ = 	snop  }
0x6: {  	_ = 	snop  }
0x7: {  	_ = 	snop  }
__scs_overlays_trampoline_lowered:
0x8: {  	[smem:$0x3FAC] =	sst s0  }
0x9: {  	[smem:$0x3FAD] =	sst s1  }
0xa: {  	[smem:$0x3FAE] =	sst s2  }
0xb: {  	[smem:$0x3FAF] =	sst s3  }
0xc: {  	[smem:$0x3FB0] =	sst s4  }
0xd: {  	[smem:$0x3FB1] =	sst s5  }
0xe: {  	[smem:$0x3FB2] =	sst s6  }
0xf: {  	[smem:$0x3FB3] =	sst s7  }
0x10: {  	[smem:$0x3FB4] =	sst s8  }
0x11: {  	[smem:$0x3FB5] =	sst s9;
	s0 =	simm.s32 @!p0 $0x0  }
0x12: {  	s1 =	sld [smem:$0x3F9B];
	s0 =	simm.s32 @p0 $0x1  }
0x13: {  	[smem:$0x3FB6] =	sst s0;
	s0 =	simm.s32 @!p1 $0x0  }
0x14: {  	s2 =	sld [smem:$0x3F9A];
	s0 =	simm.s32 @p1 $0x1  }
0x15: {  	[smem:$0x3FB7] =	sst s0;
	s0 =	simm.s32 @!p2 $0x0  }
0x16: {  	s3 =	sld [smem:$0x3FDB];
	s0 =	simm.s32 @p2 $0x1  }
0x17: {  	s4 =	simm.s32 $0x1BF5;
	[smem:$0x3FB9] =	sst s0  }
0x18: {  	s0 =	sld [smem:$0x3F9C];
	_ =	swait.ge [sflag:s4], $0x0  }
0x19: {  	s7 =	sld [smem:$0x3F9D]  }
0x1a: {  	s8 =	sadd.s32 $0xFFFFE003, lr  }
0x1b: {  	s9 =	sadd.s32 $0xFFFFFEF7, lr;
	s5 =	simm.s32 $0xFFFFFFFF;
	p2 =	slt.u32 s8, $0xFFFFF086  }
0x1c: {  	p1 =	slt.u32 s9, $0xF7A;
	s5 =	simm.s32 @!p2 $0x0  }
0x1d: {  	s5 =	simm.s32 @p1 $0x1;
	p0 =	seq.s32 s7, s2  }
0x1e: {  	s7 =	smul.u32 @!p0 $0xF7A, s2;
	p2 =	seq.s32 @!p0 s5, $0x0  }
0x1f: {  	s9 =	smul.u32 $0xF7A, s1;
	s8 =	simm.s32 @!p0 $0x1BF5;
	p2 =	por !p2, p0  }
0x20: {  	[sflag:s8] =	ssyncset.s32 @!p0 $0xFFFFF086;
	s6 =	sadd.s32 @!p0 s3, s7;
	s7 =	simm.s32 @!p0 $0x108  }
0x21: {  	s3 =	sadd.s32 s3, s9;
	s6 =	sadd.s32 @!p0 $0x88, s6;
	s7 =	simm.s32 @p2 $0x1082  }
0x22: {  	[simem:s7], [sflag:s8] =	dma.local @!p0 [hbm:s6], $0xF7A  }
0x23: {  	s9 =	sor.u32 $0xD0000000, s2;
	s6 =	simm.s32 $0x108;
	_ =	swait.ge @!p0 [sflag:s8], $0x0  }
0x24: {  	s3 =	sadd.s32 $0x88, s3;
	s6 =	simm.s32 @!p1 $0x1082;
	[sflag:s4] =	ssyncset.s32 $0xFFFFF086  }
0x25: {  	[simem:s6], [sflag:s4] =	dma.local [hbm:s3], $0xF7A  }
0x26: {  	[smem:$0x3F9D] =	sst s1;
	(tag) =	ssettag s2;
	_ =	strace s9  }
0x27: {  	s1 =	sld [smem:$0x3FAD]  }
0x28: {  	s2 =	sld [smem:$0x3FAE]  }
0x29: {  	s4 =	sld [smem:$0x3FB0]  }
0x2a: {  	p0 =	seq.s32 s5, $0x0;
	s5 =	sld [smem:$0x3FB1]  }
0x2b: {  	s6 =	sld [smem:$0x3FB2]  }
0x2c: {  	s7 =	sld [smem:$0x3FB3]  }
0x2d: {  	s3 =	simm.s32 $0x108;
	s8 =	sld [smem:$0x3FB4]  }
0x2e: {  	s3 =	simm.s32 @!p0 $0x1082;
	s9 =	sld [smem:$0x3FB5]  }
0x2f: {  	lr =	sadd.s32 s0, s3;
	s0 =	sld [smem:$0x3FAC]  }
0x30: {  	s3 =	sld [smem:$0x3FAF]  }
0x31: {  	[smem:$0x3FB8] =	sst s10  }
0x32: {  	s10 =	sld [smem:$0x3FB6];
	_ =	sdelay $0x3  }
0x33: {  	p0 =	seq.s32 s10, $0x1;
	s10 =	sld [smem:$0x3FB8];
	_ =	sdelay $0x3  }
0x34: {  	[smem:$0x3FB8] =	sst s10  }
0x35: {  	s10 =	sld [smem:$0x3FB7];
	_ =	sdelay $0x3  }
0x36: {  	p1 =	seq.s32 s10, $0x1;
	s10 =	sld [smem:$0x3FB8];
	_ =	sdelay $0x3  }
0x37: {  	[smem:$0x3FB8] =	sst s10  }
0x38: {  	s10 =	sld [smem:$0x3FB9]  }
0x39: {  	_ = 	snop;
	(pc) =	sbr.ind lr, $3  }
0x3a: {  	_ = 	snop  }
0x3b: {  	_ = 	snop  }
0x3c: {  	p2 =	seq.s32 s10, $0x1;
	s10 =	sld [smem:$0x3FB8]  }
0x3d: {  	_ =	shalt  }
0x3e: {  	_ =	shalt  }
0x3f: {  	_ =	shalt  }
0x40: {  	_ =	shalt  }
0x41: {  	_ =	shalt  }
0x42: {  	_ =	shalt  }
0x43: {  	_ =	shalt  }
0x44: {  	_ =	shalt  }
0x45: {  	_ =	shalt  }
0x46: {  	_ =	shalt  }
0x47: {  	_ =	shalt  }
0x48: {  	_ =	shalt  }
0x49: {  	_ =	shalt  }
0x4a: {  	_ =	shalt  }
0x4b: {  	_ =	shalt  }
0x4c: {  	_ =	shalt  }
0x4d: {  	_ =	shalt  }
0x4e: {  	_ =	shalt  }
0x4f: {  	_ =	shalt  }
0x50: {  	_ =	shalt  }
0x51: {  	_ =	shalt  }
0x52: {  	_ =	shalt  }
0x53: {  	_ =	shalt  }
0x54: {  	_ =	shalt  }
0x55: {  	_ =	shalt  }
0x56: {  	_ =	shalt  }
0x57: {  	_ =	shalt  }
0x58: {  	_ =	shalt  }
0x59: {  	_ =	shalt  }
0x5a: {  	_ =	shalt  }
0x5b: {  	_ =	shalt  }
0x5c: {  	_ =	shalt  }
0x5d: {  	_ =	shalt  }
0x5e: {  	_ =	shalt  }
0x5f: {  	_ =	shalt  }
0x60: {  	_ =	shalt  }
0x61: {  	_ =	shalt  }
0x62: {  	_ =	shalt  }
0x63: {  	_ =	shalt  }
0x64: {  	_ =	shalt  }
0x65: {  	_ =	shalt  }
0x66: {  	_ =	shalt  }
0x67: {  	_ =	shalt  }
0x68: {  	_ =	shalt  }
0x69: {  	_ =	shalt  }
0x6a: {  	_ =	shalt  }
0x6b: {  	_ =	shalt  }
0x6c: {  	_ =	shalt  }
0x6d: {  	_ =	shalt  }
0x6e: {  	_ =	shalt  }
0x6f: {  	_ =	shalt  }
0x70: {  	_ =	shalt  }
0x71: {  	_ =	shalt  }
0x72: {  	_ =	shalt  }
0x73: {  	_ =	shalt  }
0x74: {  	_ =	shalt  }
0x75: {  	_ =	shalt  }
0x76: {  	_ =	shalt  }
0x77: {  	_ =	shalt  }
0x78: {  	_ =	shalt  }
0x79: {  	_ =	shalt  }
0x7a: {  	_ =	shalt  }
0x7b: {  	_ =	shalt  }
0x7c: {  	_ =	shalt  }
0x7d: {  	_ =	shalt  }
0x7e: {  	_ =	shalt  }
0x7f: {  	_ =	shalt  }
0x80: {  	_ =	shalt  }
0x81: {  	_ =	shalt  }
0x82: {  	_ =	shalt  }
0x83: {  	_ =	shalt  }
0x84: {  	_ =	shalt  }
0x85: {  	_ =	shalt  }
0x86: {  	_ =	shalt  }
0x87: {  	_ =	shalt  }
.Lfunc_end0:
.L_simem_size_0:
called_computation_lowered:
.L_overlay_start_0:
0x88: {  	s2 =	sld [smem:$0x3FD9]  }
0x89: {  	s3 =	sld [smem:$0x3FFE];
	_ =	sdelay $0x1  }
0x8a: {  	s1 =	srdreg.scid  }
0x8b: {  	s0 =	sand.u32 $0x1, s1  }
0x8c: {  	s16 =	sshll.u32 s0, $0xA;
	s2 =	sadd.s32 s3, s2  }
0x8d: {  	s2 =	sadd.s32 s2, s16  }
0x8e: {  	[smem:$0x3FC4] =	sst s2  }
0x8f: {  	_ = 	snop  }
0x90: {  	(tm) =	ssettm $0x1  }
0x91: {  	s17 =	sld [smem:$0x3FFB];
	_ =	sdelay $0x3  }
0x92: {  	_ =	strace s17  }
0x93: {  	s2 =	sld [smem:$0x3FFC];
	_ =	sdelay $0x3  }
0x94: {  	_ =	strace s2  }
0x95: {  	s2 =	sld [smem:$0x3FFD];
	_ =	sdelay $0x3  }
0x96: {  	_ =	strace s2  }
0x97: {  	_ =	strace $0x8FFFFFFF  }
0x98: {  	s18 =	sld [smem:$0x3FDB];
	_ =	sdelay $0x1  }
0x99: {  	s19 =	simm.s32 $_scs_section_size  }
0x9a: {  	s4 =	simm.s32 $_size__tile_overlayer_lowered;
	s5 =	simm.s32 $_tile_overlayer_lowered  }
0x9b: {  	s22 =	simm.s32 $0x1BFF;
	s21 =	sshll.u32 s5, $0x1;
	s2 =	sadd.s32 s19, s18  }
0x9c: {  	s6 =	simm.s32 $0x0;
	s20 =	sshll.u32 s4, $0x1;
	s4 =	sadd.s32 s21, s2  }
0x9d: {  	[timem:s6], [sflag:s22] =	dma.local [hbm:s4], s20  }
0x9e: {  	_ =	swait.ge [sflag:s22], s20  }
0x9f: {  	s3 =	ssub.s32 $0x0, s20;
	[sflag:s22] =	ssyncset.done $0x0  }
0xa0: {  	[sflag:s22] =	ssyncadd.s32 s3;
	_ =	sdelay $0x1  }
0xa1: {  	s23 =	simm.s32 $0x1B8B  }
0xa2: {  	_ =	swait.ge [sflag:s23], $0x1  }
0xa3: {  	[sflag:s23] =	ssyncset.done $0x0  }
0xa4: {  	s25 =	simm.s32 $0x1B8E;
	s24 =	sld [smem:$0x3FFE];
	[sflag:s23] =	ssyncadd.s32 $0xFFFFFFFF  }
0xa5: {  	s26 =	simm.s32 $execute0_lowered;
	[smem:$0x3FD2] =	sst s25  }
0xa6: {  	s4 =	sshll.u32 s26, $0x1;
	_ =	strace $0x80000046;
	[dreg:$0x1] =	wrdreg $0xFFFFFFFF  }
0xa7: {  	s28 =	simm.s32 $_size_execute0_lowered;
	s2 =	sadd.s32 s2, s4;
	[dreg:$0x0] =	wrdreg $0x0  }
0xa8: {  	s4 =	sshll.u32 s28, $0x1;
	[dreg:$0x2] =	wrdreg s2  }
0xa9: {  	[dreg:$0x3] =	wrdreg s4  }
0xaa: {  	[dreg:$0x4] =	wrdreg $0xC0  }
0xab: {  	_ =	task [dreg:s6], $0x5FFFF  }
0xac: {  	[dreg:$0x1] =	wrdreg $0xFFFFFFFF  }
0xad: {  	[dreg:$0x0] =	wrdreg $0x60  }
0xae: {  	[dreg:$0x2] =	wrdreg s24  }
0xaf: {  	[dreg:$0x3] =	wrdreg $0x2B000  }
0xb0: {  	[dreg:$0x4] =	wrdreg $0x9  }
0xb1: {  	_ =	task.clear_ibuf [dreg:s6], $0x5FFFF;
	_ =	strace $0x90000046  }
0xb2: {  	s29 =	simm.s32 $0x9;
	_ =	strace $0x80000048  }
0xb3: {  	_ =	swait.ge [sflag:s29], $0x1  }
0xb4: {  	[sflag:s29] =	ssyncadd.s32 $0xFFFFFFFF  }
0xb5: {  	_ =	strace $0x90000048  }
0xb6: {  	_ =	sfence  }
0xb7: {  	s30 =	sld [smem:$0x0];
	_ =	sdelay $0x2  }
0xb8: {  	s31 =	sshll.u32 s1, $0xD;
	s1 =	sshrl.u32 s1, $0x2  }
0xb9: {  	s3 =	sand.u32 $0x4000, s31;
	s1 =	sadd.s32 s1, s30  }
0xba: {  	s0 =	sor.u32 s3, s0;
	s1 =	sshll.u32 s1, $0x11  }
0xbb: {  	s0 =	sor.u32 s1, s0  }
0xbc: {  	s0 =	sadd.s32 $0x8F2B, s0  }
0xbd: {  	[sflag:s0] =	ssyncadd.remote.s32 $0x1  }
0xbe: {  	_ =	sfence.sel $0xFFFF  }
0xbf: {  	[dreg:$0x0] =	wrdreg $0xFFFFFFFF;
	(pc) =	sbr.abs _section_cstart, $3  }
0xc0: {  	[dreg:$0x1] =	wrdreg $0xFFFFFFFF  }
0xc1: {  	_ =	task.clear_ibuf [dreg:s6], $0x2FFFF;
	_ =	strace $0x9FFFFFFF  }
0xc2: {  	(tm) =	ssettm $0x7FFFFFFF  }
0xc3: {  	_ =	shalt  }
tec
execute0_lowered:
.L_overlay_start_1:
0x0: {  	(tag) =	ssettag $0x1  }
0x1: {  	s1 =	srdreg.scid;
	s5 =	rddreg [dreg:$0x0]  }
0x2: {  	s0 =	stileid.u32;
	s2 =	rddreg [dreg:$0x1]  }
0x3: {  	s3 =	simm.s32 $0x0;
	s10 =	simm.s32 $0x2800;
	s11 =	simm.s32 $0x2880  }
0x4: {  	s12 =	simm.s32 $0x80;
	s13 =	simm.s32 $0x1;
	s14 =	simm.s32 $0x2400  }
0x5: {  	s15 =	simm.s32 $0x2480;
	s16 =	simm.s32 $0x2500;
	s17 =	simm.s32 $0x2580  }
0x6: {  	s18 =	simm.s32 $0x2600;
	s19 =	simm.s32 $0x2680;
	s20 =	simm.s32 $0x2700  }
0x7: {  	s23 =	simm.s32 $0x20;
	s24 =	simm.s32 $0x10;
	s25 =	simm.s32 $0x0  }
0x8: {  	s4 =	sand.u32 $0x1, s1;
	s28 =	sshll.u32 s0, $0x1;
	s7 =	smul.u32 $0x500, s0  }
0x9: {  	[smem:$0x7FF] =	sst s3;
	s9 =	smul.u32 $0xA00, s0;
	s21 =	sshll.u32 s0, $0x6  }
0xa: {  	s1 =	sor.u32 s4, s28;
	s8 =	sshll.u32 s4, $0x7;
	s29 =	ssub.s32 $0x2, s4  }
0xb: {  	s4 =	sadd.s32 $0xB400, s5;
	s21 =	sor.u32 $0x1C02, s21;
	s6 =	smul.u32 $0x500, s1  }
0xc: {  	s1 =	rddreg [dreg:$0x2];
	_ =	strace $0x80000047;
	s7 =	sor.u32 s8, s7  }
0xd: {  	s30 =	sshrl.u32 s29, $0x1;
	s31 =	sshrl.u32 s9, $0x2;
	s9 =	simm.s32 $0x2  }
0xe: {  	s7 =	sshrl.u32 s7, $0x3;
	s8 =	ssub.s32 s29, s30;
	s6 =	sadd.s32 s6, s5  }
0xf: {  	s7 =	sadd.s32 s7, s5;
	s5 =	sadd.s32 $0x1400, s6;
	s6 =	sadd.s32 s31, s2  }
0x10: {  	v0 =	vimm.f32 $0.0e+00;
	s8 =	smax.u32 s8, $0x1;
	s7 =	sadd.s32 $0xB600, s7;
	s22 =	sshrl.u32 s6, $0x3  }
.LBB2_1:
0x11: {  	[tilespmem:s3], [sflag:$0x2] =	stream.linear.gather [hbm4b:s5+s3], $0x2780, $0x38;
	[tilespmem:$0x2D80] =	vst v63  }
0x12: {  	_ =	swait.ge [sflag:s9], $0x2780  }
0x13: {  	[sflag:s9] =	ssyncset.done $0x0  }
0x14: {  	[sflag:s9] =	ssyncadd.s32 $0xFFFFD880  }
0x15: {  	[tilespmem:s10], [sflag:$0x2] =	stream.linear.gather [hbm4b:s4+s3], $0x80, $0x38;
	[tilespmem:$0x2D80] =	vst v63  }
0x16: {  	_ =	swait.ge [sflag:s9], $0x80  }
0x17: {  	[sflag:s9] =	ssyncset.done $0x0  }
0x18: {  	[sflag:s9] =	ssyncadd.s32 $0xFFFFFF80  }
0x19: {  	[tilespmem:$0x2880] =	vst v0  }
0x1a: {  	[tilespmem:$0x2890] =	vst v0  }
0x1b: {  	[tilespmem:$0x28A0] =	vst v0  }
0x1c: {  	[tilespmem:$0x28B0] =	vst v0  }
0x1d: {  	[tilespmem:$0x28C0] =	vst v0  }
0x1e: {  	[tilespmem:$0x28D0] =	vst v0  }
0x1f: {  	[tilespmem:$0x28E0] =	vst v0  }
0x20: {  	[tilespmem:$0x28F0] =	vst v0  }
0x21: {  	[tilespmem:$0x2900] =	vst v0  }
0x22: {  	[tilespmem:$0x2910] =	vst v0  }
0x23: {  	[tilespmem:$0x2920] =	vst v0  }
0x24: {  	[tilespmem:$0x2930] =	vst v0  }
0x25: {  	[tilespmem:$0x2940] =	vst v0  }
0x26: {  	[tilespmem:$0x2950] =	vst v0  }
0x27: {  	[tilespmem:$0x2960] =	vst v0  }
0x28: {  	[tilespmem:$0x2970] =	vst v0  }
0x29: {  	[tilespmem:$0x2980] =	vst v0  }
0x2a: {  	[tilespmem:$0x2990] =	vst v0  }
0x2b: {  	[tilespmem:$0x29A0] =	vst v0  }
0x2c: {  	[tilespmem:$0x29B0] =	vst v0  }
0x2d: {  	[tilespmem:$0x29C0] =	vst v0  }
0x2e: {  	[tilespmem:$0x29D0] =	vst v0  }
0x2f: {  	[tilespmem:$0x29E0] =	vst v0  }
0x30: {  	[tilespmem:$0x29F0] =	vst v0  }
0x31: {  	[tilespmem:$0x2A00] =	vst v0  }
0x32: {  	[tilespmem:$0x2A10] =	vst v0  }
0x33: {  	[tilespmem:$0x2A20] =	vst v0  }
0x34: {  	[tilespmem:$0x2A30] =	vst v0  }
0x35: {  	[tilespmem:$0x2A40] =	vst v0  }
0x36: {  	[tilespmem:$0x2A50] =	vst v0  }
0x37: {  	[tilespmem:$0x2A60] =	vst v0  }
0x38: {  	[tilespmem:$0x2A70] =	vst v0  }
0x39: {  	[tilespmem:$0x2A80] =	vst v0  }
0x3a: {  	[tilespmem:$0x2A90] =	vst v0  }
0x3b: {  	[tilespmem:$0x2AA0] =	vst v0  }
0x3c: {  	[tilespmem:$0x2AB0] =	vst v0  }
0x3d: {  	[tilespmem:$0x2AC0] =	vst v0  }
0x3e: {  	[tilespmem:$0x2AD0] =	vst v0  }
0x3f: {  	[tilespmem:$0x2AE0] =	vst v0  }
0x40: {  	[tilespmem:$0x2AF0] =	vst v0  }
0x41: {  	[spmem:s6] =	stream.linear.scatter [tilespmem:s11], [sflag:$0x2], $0x280, $0x38;
	[tilespmem:$0x2D80] =	vst v63  }
0x42: {  	_ =	swait.ge [sflag:s9], $0x280  }
0x43: {  	[sflag:s9] =	ssyncset.done $0x0  }
0x44: {  	[sflag:s9] =	ssyncadd.s32 $0xFFFFFD80  }
0x45: {  	s26 =	simm.s32 $0x0;
	[bflag:$0x0] =	sbarrier.arrive $0xFFFF  }
0x46: {  	[spmem:s2] =	stream.indirect.scatter.add.f32 [tilespmem:s10], [sflag:$0x1], $0x1, s26, s12, $0xb8;
	[tilespmem:$0x2D80] =	vst v63  }
0x47: {  	s31 =	simm.s32 $0x80  }
0x48: {  	[spmem:s2] =	stream.indirect.scatter.add.f32 [tilespmem:s10], [sflag:$0x1], $0x1, s31, s12, $0xb8;
	[tilespmem:$0x2D80] =	vst v63  }
0x49: {  	s28 =	simm.s32 $0x100  }
0x4a: {  	[spmem:s2] =	stream.indirect.scatter.add.f32 [tilespmem:s10], [sflag:$0x1], $0x1, s28, s12, $0xb8;
	[tilespmem:$0x2D80] =	vst v63  }
0x4b: {  	s30 =	simm.s32 $0x180  }
0x4c: {  	[spmem:s2] =	stream.indirect.scatter.add.f32 [tilespmem:s10], [sflag:$0x1], $0x1, s30, s12, $0xb8;
	[tilespmem:$0x2D80] =	vst v63  }
0x4d: {  	s31 =	simm.s32 $0x200  }
0x4e: {  	[spmem:s2] =	stream.indirect.scatter.add.f32 [tilespmem:s10], [sflag:$0x1], $0x1, s31, s12, $0xb8;
	[tilespmem:$0x2D80] =	vst v63  }
0x4f: {  	s28 =	simm.s32 $0x280  }
0x50: {  	[spmem:s2] =	stream.indirect.scatter.add.f32 [tilespmem:s10], [sflag:$0x1], $0x1, s28, s12, $0xb8;
	[tilespmem:$0x2D80] =	vst v63  }
0x51: {  	s30 =	simm.s32 $0x300  }
0x52: {  	[spmem:s2] =	stream.indirect.scatter.add.f32 [tilespmem:s10], [sflag:$0x1], $0x1, s30, s12, $0xb8;
	[tilespmem:$0x2D80] =	vst v63  }
0x53: {  	s31 =	simm.s32 $0x380  }
0x54: {  	[spmem:s2] =	stream.indirect.scatter.add.f32 [tilespmem:s10], [sflag:$0x1], $0x1, s31, s12, $0xb8;
	[tilespmem:$0x2D80] =	vst v63  }
0x55: {  	_ =	swait.ge [sflag:s13], $0x80  }
0x56: {  	[sflag:s13] =	ssyncset.done $0x0  }
0x57: {  	[sflag:s13] =	ssyncadd.s32 $0xFFFFFF80  }
0x58: {  	_ =	swait.ge [sflag:s13], $0x80  }
0x59: {  	[sflag:s13] =	ssyncset.done $0x0  }
0x5a: {  	[sflag:s13] =	ssyncadd.s32 $0xFFFFFF80  }
0x5b: {  	_ =	swait.ge [sflag:s13], $0x80  }
0x5c: {  	[sflag:s13] =	ssyncset.done $0x0  }
0x5d: {  	[sflag:s13] =	ssyncadd.s32 $0xFFFFFF80  }
0x5e: {  	_ =	swait.ge [sflag:s13], $0x80  }
0x5f: {  	[sflag:s13] =	ssyncset.done $0x0  }
0x60: {  	[sflag:s13] =	ssyncadd.s32 $0xFFFFFF80  }
0x61: {  	_ =	swait.ge [sflag:s13], $0x80  }
0x62: {  	[sflag:s13] =	ssyncset.done $0x0  }
0x63: {  	[sflag:s13] =	ssyncadd.s32 $0xFFFFFF80  }
0x64: {  	_ =	swait.ge [sflag:s13], $0x80  }
0x65: {  	[sflag:s13] =	ssyncset.done $0x0  }
0x66: {  	[sflag:s13] =	ssyncadd.s32 $0xFFFFFF80  }
0x67: {  	_ =	swait.ge [sflag:s13], $0x80  }
0x68: {  	[sflag:s13] =	ssyncset.done $0x0  }
0x69: {  	[sflag:s13] =	ssyncadd.s32 $0xFFFFFF80  }
0x6a: {  	_ =	swait.ge [sflag:s13], $0x80  }
0x6b: {  	s29 =	simm.s32 $0x2000;
	s26 =	simm.s32 $0x1000;
	[sflag:s13] =	ssyncset.done $0x0  }
.LBB2_2:
0x6c: {  	s30 =	sshra.s32 s26, $0x2  }
0x6d: {  	[sflag:s13] =	ssyncadd.s32 $0xFFFFFF80;
	s26 =	smov.u32 s29;
	s28 =	sadd.s32 $0x1000, s29  }
0x6e: {  	[spmem:s2] =	stream.indirect.scatter.add.f32 [tilespmem:s10], [sflag:$0x1], $0x1, s30, s12, $0xb8;
	[tilespmem:$0x2D80] =	vst v63  }
0x6f: {  	p0 =	sne.s32 s29, $0x8000;
	s29 =	sadd.s32 $0x80, s30  }
0x70: {  	[spmem:s2] =	stream.indirect.scatter.add.f32 [tilespmem:s10], [sflag:$0x1], $0x1, s29, s12, $0xb8;
	[tilespmem:$0x2D80] =	vst v63  }
0x71: {  	s29 =	sadd.s32 $0x100, s30  }
0x72: {  	[spmem:s2] =	stream.indirect.scatter.add.f32 [tilespmem:s10], [sflag:$0x1], $0x1, s29, s12, $0xb8;
	[tilespmem:$0x2D80] =	vst v63  }
0x73: {  	s29 =	sadd.s32 $0x180, s30  }
0x74: {  	[spmem:s2] =	stream.indirect.scatter.add.f32 [tilespmem:s10], [sflag:$0x1], $0x1, s29, s12, $0xb8;
	[tilespmem:$0x2D80] =	vst v63  }
0x75: {  	s29 =	sadd.s32 $0x200, s30  }
0x76: {  	[spmem:s2] =	stream.indirect.scatter.add.f32 [tilespmem:s10], [sflag:$0x1], $0x1, s29, s12, $0xb8;
	[tilespmem:$0x2D80] =	vst v63  }
0x77: {  	s29 =	sadd.s32 $0x280, s30  }
0x78: {  	[spmem:s2] =	stream.indirect.scatter.add.f32 [tilespmem:s10], [sflag:$0x1], $0x1, s29, s12, $0xb8;
	[tilespmem:$0x2D80] =	vst v63  }
0x79: {  	s29 =	sadd.s32 $0x300, s30  }
0x7a: {  	[spmem:s2] =	stream.indirect.scatter.add.f32 [tilespmem:s10], [sflag:$0x1], $0x1, s29, s12, $0xb8;
	[tilespmem:$0x2D80] =	vst v63  }
0x7b: {  	s29 =	sadd.s32 $0x380, s30  }
0x7c: {  	[spmem:s2] =	stream.indirect.scatter.add.f32 [tilespmem:s10], [sflag:$0x1], $0x1, s29, s12, $0xb8;
	[tilespmem:$0x2D80] =	vst v63  }
0x7d: {  	_ =	swait.ge [sflag:s13], $0x80  }
0x7e: {  	[sflag:s13] =	ssyncset.done $0x0  }
0x7f: {  	[sflag:s13] =	ssyncadd.s32 $0xFFFFFF80  }
0x80: {  	_ =	swait.ge [sflag:s13], $0x80  }
0x81: {  	[sflag:s13] =	ssyncset.done $0x0  }
0x82: {  	[sflag:s13] =	ssyncadd.s32 $0xFFFFFF80  }
0x83: {  	_ =	swait.ge [sflag:s13], $0x80  }
0x84: {  	[sflag:s13] =	ssyncset.done $0x0  }
0x85: {  	[sflag:s13] =	ssyncadd.s32 $0xFFFFFF80  }
0x86: {  	_ =	swait.ge [sflag:s13], $0x80  }
0x87: {  	[sflag:s13] =	ssyncset.done $0x0  }
0x88: {  	[sflag:s13] =	ssyncadd.s32 $0xFFFFFF80  }
0x89: {  	_ =	swait.ge [sflag:s13], $0x80  }
0x8a: {  	[sflag:s13] =	ssyncset.done $0x0  }
0x8b: {  	[sflag:s13] =	ssyncadd.s32 $0xFFFFFF80  }
0x8c: {  	_ =	swait.ge [sflag:s13], $0x80  }
0x8d: {  	[sflag:s13] =	ssyncset.done $0x0  }
0x8e: {  	[sflag:s13] =	ssyncadd.s32 $0xFFFFFF80  }
.Ltmp0:
0x8f: {  	_ =	swait.ge [sflag:s13], $0x80;
	(pc) =	sbr.rel @p0 .LBB2_2-.Ltmp0, $4  }
0x90: {  	[sflag:s13] =	ssyncset.done $0x0  }
0x91: {  	[sflag:s13] =	ssyncadd.s32 $0xFFFFFF80  }
0x92: {  	_ =	swait.ge [sflag:s13], $0x80  }
0x93: {  	s29 =	smov.u32 s28;
	[sflag:s13] =	ssyncset.done $0x0  }
0x94: {  	s26 =	sshra.s32 s26, $0x2;
	[sflag:s13] =	ssyncadd.s32 $0xFFFFFF80  }
0x95: {  	[spmem:s2] =	stream.indirect.scatter.add.f32 [tilespmem:s10], [sflag:$0x1], $0x1, s26, s12, $0xb8;
	[tilespmem:$0x2D80] =	vst v63  }
0x96: {  	s28 =	sadd.s32 $0x80, s26  }
0x97: {  	[spmem:s2] =	stream.indirect.scatter.add.f32 [tilespmem:s10], [sflag:$0x1], $0x1, s28, s12, $0xb8;
	[tilespmem:$0x2D80] =	vst v63  }
0x98: {  	s30 =	sadd.s32 $0x100, s26  }
0x99: {  	[spmem:s2] =	stream.indirect.scatter.add.f32 [tilespmem:s10], [sflag:$0x1], $0x1, s30, s12, $0xb8;
	[tilespmem:$0x2D80] =	vst v63  }
0x9a: {  	s31 =	sadd.s32 $0x180, s26  }
0x9b: {  	[spmem:s2] =	stream.indirect.scatter.add.f32 [tilespmem:s10], [sflag:$0x1], $0x1, s31, s12, $0xb8;
	[tilespmem:$0x2D80] =	vst v63  }
0x9c: {  	s29 =	sadd.s32 $0x200, s26  }
0x9d: {  	[spmem:s2] =	stream.indirect.scatter.add.f32 [tilespmem:s10], [sflag:$0x1], $0x1, s29, s12, $0xb8;
	[tilespmem:$0x2D80] =	vst v63  }
0x9e: {  	s30 =	sadd.s32 $0x280, s26  }
0x9f: {  	[spmem:s2] =	stream.indirect.scatter.add.f32 [tilespmem:s10], [sflag:$0x1], $0x1, s30, s12, $0xb8;
	[tilespmem:$0x2D80] =	vst v63  }
0xa0: {  	s31 =	sadd.s32 $0x300, s26  }
0xa1: {  	[spmem:s2] =	stream.indirect.scatter.add.f32 [tilespmem:s10], [sflag:$0x1], $0x1, s31, s12, $0xb8;
	[tilespmem:$0x2D80] =	vst v63  }
0xa2: {  	s26 =	sadd.s32 $0x380, s26  }
0xa3: {  	[spmem:s2] =	stream.indirect.scatter.add.f32 [tilespmem:s10], [sflag:$0x1], $0x1, s26, s12, $0xb8;
	[tilespmem:$0x2D80] =	vst v63  }
0xa4: {  	_ =	swait.ge [sflag:s13], $0x80  }
0xa5: {  	[sflag:s13] =	ssyncset.done $0x0  }
0xa6: {  	[sflag:s13] =	ssyncadd.s32 $0xFFFFFF80  }
0xa7: {  	_ =	swait.ge [sflag:s13], $0x80  }
0xa8: {  	[sflag:s13] =	ssyncset.done $0x0  }
0xa9: {  	[sflag:s13] =	ssyncadd.s32 $0xFFFFFF80  }
0xaa: {  	_ =	swait.ge [sflag:s13], $0x80  }
0xab: {  	[sflag:s13] =	ssyncset.done $0x0  }
0xac: {  	[sflag:s13] =	ssyncadd.s32 $0xFFFFFF80  }
0xad: {  	_ =	swait.ge [sflag:s13], $0x80  }
0xae: {  	[sflag:s13] =	ssyncset.done $0x0  }
0xaf: {  	[sflag:s13] =	ssyncadd.s32 $0xFFFFFF80  }
0xb0: {  	_ =	swait.ge [sflag:s13], $0x80  }
0xb1: {  	[sflag:s13] =	ssyncset.done $0x0  }
0xb2: {  	[sflag:s13] =	ssyncadd.s32 $0xFFFFFF80  }
0xb3: {  	_ =	swait.ge [sflag:s13], $0x80  }
0xb4: {  	[sflag:s13] =	ssyncset.done $0x0  }
0xb5: {  	[sflag:s13] =	ssyncadd.s32 $0xFFFFFF80  }
0xb6: {  	_ =	swait.ge [sflag:s13], $0x80  }
0xb7: {  	[sflag:s13] =	ssyncset.done $0x0  }
0xb8: {  	[sflag:s13] =	ssyncadd.s32 $0xFFFFFF80  }
0xb9: {  	_ =	swait.ge [sflag:s13], $0x80  }
0xba: {  	[sflag:s13] =	ssyncset.done $0x0  }
0xbb: {  	[sflag:s13] =	ssyncadd.s32 $0xFFFFFF80  }
0xbc: {  	[spmem:s2] =	stream.indirect.scatter.add.f32 [tilespmem:s10], [sflag:$0x1], $0x1, s14, s12, $0xb8;
	[tilespmem:$0x2D80] =	vst v63  }
0xbd: {  	_ = 	snop  }
0xbe: {  	[spmem:s2] =	stream.indirect.scatter.add.f32 [tilespmem:s10], [sflag:$0x1], $0x1, s15, s12, $0xb8;
	[tilespmem:$0x2D80] =	vst v63  }
0xbf: {  	_ = 	snop  }
0xc0: {  	[spmem:s2] =	stream.indirect.scatter.add.f32 [tilespmem:s10], [sflag:$0x1], $0x1, s16, s12, $0xb8;
	[tilespmem:$0x2D80] =	vst v63  }
0xc1: {  	_ = 	snop  }
0xc2: {  	[spmem:s2] =	stream.indirect.scatter.add.f32 [tilespmem:s10], [sflag:$0x1], $0x1, s17, s12, $0xb8;
	[tilespmem:$0x2D80] =	vst v63  }
0xc3: {  	_ = 	snop  }
0xc4: {  	[spmem:s2] =	stream.indirect.scatter.add.f32 [tilespmem:s10], [sflag:$0x1], $0x1, s18, s12, $0xb8;
	[tilespmem:$0x2D80] =	vst v63  }
0xc5: {  	_ = 	snop  }
0xc6: {  	[spmem:s2] =	stream.indirect.scatter.add.f32 [tilespmem:s10], [sflag:$0x1], $0x1, s19, s12, $0xb8;
	[tilespmem:$0x2D80] =	vst v63  }
0xc7: {  	_ = 	snop  }
0xc8: {  	[spmem:s2] =	stream.indirect.scatter.add.f32 [tilespmem:s10], [sflag:$0x1], $0x1, s20, s12, $0xb8;
	[tilespmem:$0x2D80] =	vst v63  }
0xc9: {  	_ =	swait.ge [sflag:s13], $0x80  }
0xca: {  	[sflag:s13] =	ssyncset.done $0x0  }
0xcb: {  	[sflag:s13] =	ssyncadd.s32 $0xFFFFFF80  }
0xcc: {  	_ =	swait.ge [sflag:s13], $0x80  }
0xcd: {  	[sflag:s13] =	ssyncset.done $0x0  }
0xce: {  	[sflag:s13] =	ssyncadd.s32 $0xFFFFFF80  }
0xcf: {  	_ =	swait.ge [sflag:s13], $0x80  }
0xd0: {  	[sflag:s13] =	ssyncset.done $0x0  }
0xd1: {  	[sflag:s13] =	ssyncadd.s32 $0xFFFFFF80  }
0xd2: {  	_ =	swait.ge [sflag:s13], $0x80  }
0xd3: {  	[sflag:s13] =	ssyncset.done $0x0  }
0xd4: {  	[sflag:s13] =	ssyncadd.s32 $0xFFFFFF80  }
0xd5: {  	_ =	swait.ge [sflag:s13], $0x80  }
0xd6: {  	[sflag:s13] =	ssyncset.done $0x0  }
0xd7: {  	[sflag:s13] =	ssyncadd.s32 $0xFFFFFF80  }
0xd8: {  	_ =	swait.ge [sflag:s13], $0x80  }
0xd9: {  	[sflag:s13] =	ssyncset.done $0x0  }
0xda: {  	[sflag:s13] =	ssyncadd.s32 $0xFFFFFF80  }
0xdb: {  	_ =	swait.ge [sflag:s13], $0x80  }
0xdc: {  	s25 =	sadd.s32 $0x1, s25;
	[sflag:s13] =	ssyncset.done $0x0  }
0xdd: {  	p0 =	sne.s32 s25, s8;
	[sflag:s13] =	ssyncadd.s32 $0xFFFFFF80  }
.Ltmp1:
0xde: {  	[bflag:$0x0] =	sbarrier.arrive $0xFFFF;
	(pc) =	sbr.rel @p0 .LBB2_1-.Ltmp1, $4  }
0xdf: {  	[hbm:s7@s23], [sflag:s21] =	dma.strided [spmem:s22@s24], $0x50, s13, $0x10   }
0xe0: {  	_ =	swait.ge [sflag:s9], $0x50  }
0xe1: {  	[sflag:s9] =	ssyncset.done $0x0  }
0xe2: {  	[sflag:s9] =	ssyncadd.s32 $0xFFFFFFB0  }
0xe3: {  	_ =	sfence.sel $0x180000  }
0xe4: {  	[bflag:$0x0] =	sbarrier.arrive $0xFFFF  }
0xe5: {  	p0 =	sne.s32 s0, $0x0;
	_ =	strace $0x90000047  }
0xe6: {  	s0 =	sadd.s32 @!p0 $0x100000, s1;
	[bflag:$0x2] =	sbarrier.arrive $0xFFFF  }
0xe7: {  	[sflag:s0] =	ssyncadd.tile.s32 @!p0 $0x1;
	_ =	shalt  }
.Lfunc_end2:
_tile_overlayer_lowered:
.L_overlay_start_2:
0xe8: {  	(tag) =	ssettag $0x2  }
0xe9: {  	s0 =	rddreg [dreg:$0x0];
	s2 =	stileid.u32  }
0xea: {  	s1 =	rddreg [dreg:$0x1];
	p0 =	sne.s32 s2, $0x0  }
0xeb: {  	s3 =	rddreg [dreg:$0x2];
	[bflag:$0x3] =	sbarrier.arrive $0xFFFF;
	s2 =	simm.s32 @!p0 $0x1C02  }
0xec: {  	[timem:s3], [sflag:s2] =	dma.local @!p0 [hbm:s0], s1  }
0xed: {  	s0 =	simm.s32 @!p0 $0x2  }
0xee: {  	_ =	swait.ge @!p0 [sflag:s0], s1  }
0xef: {  	s1 =	ssub.s32 @!p0 $0x0, s1;
	[sflag:s0] =	ssyncset.done @!p0 $0x0  }
0xf0: {  	[sflag:s0] =	ssyncadd.s32 @!p0 s1  }
0xf1: {  	[bflag:$0x3] =	sbarrier.arrive $0xFFFF  }
0xf2: {  	_ =	shalt  }

// kernel: kernel.9.cloned.1.call-start
scs
__scs_entry_jumppad:
0x0: {  	(pc) =	sbr.rel $0x88, $3  }
0x1: {  	(tag) =	ssettag $0x0;
	lr =	simm.s32 $0x1  }
0x2: {  	[smem:$0x3F9D] =	sst lr;
	_ =	strace $0xD0000000  }
0x3: {  	_ = 	snop  }
0x4: {  	_ = 	snop  }
0x5: {  	_ = 	snop  }
0x6: {  	_ = 	snop  }
0x7: {  	_ = 	snop  }
__scs_overlays_trampoline_lowered:
0x8: {  	[smem:$0x3FAC] =	sst s0  }
0x9: {  	[smem:$0x3FAD] =	sst s1  }
0xa: {  	[smem:$0x3FAE] =	sst s2  }
0xb: {  	[smem:$0x3FAF] =	sst s3  }
0xc: {  	[smem:$0x3FB0] =	sst s4  }
0xd: {  	[smem:$0x3FB1] =	sst s5  }
0xe: {  	[smem:$0x3FB2] =	sst s6  }
0xf: {  	[smem:$0x3FB3] =	sst s7  }
0x10: {  	[smem:$0x3FB4] =	sst s8  }
0x11: {  	[smem:$0x3FB5] =	sst s9;
	s0 =	simm.s32 @!p0 $0x0  }
0x12: {  	s1 =	sld [smem:$0x3F9B];
	s0 =	simm.s32 @p0 $0x1  }
0x13: {  	[smem:$0x3FB6] =	sst s0;
	s0 =	simm.s32 @!p1 $0x0  }
0x14: {  	s2 =	sld [smem:$0x3F9A];
	s0 =	simm.s32 @p1 $0x1  }
0x15: {  	[smem:$0x3FB7] =	sst s0;
	s0 =	simm.s32 @!p2 $0x0  }
0x16: {  	s3 =	sld [smem:$0x3FDB];
	s0 =	simm.s32 @p2 $0x1  }
0x17: {  	s4 =	simm.s32 $0x1BF5;
	[smem:$0x3FB9] =	sst s0  }
0x18: {  	s0 =	sld [smem:$0x3F9C];
	_ =	swait.ge [sflag:s4], $0x0  }
0x19: {  	s7 =	sld [smem:$0x3F9D]  }
0x1a: {  	s8 =	sadd.s32 $0xFFFFE003, lr  }
0x1b: {  	s9 =	sadd.s32 $0xFFFFFEF7, lr;
	s5 =	simm.s32 $0xFFFFFFFF;
	p2 =	slt.u32 s8, $0xFFFFF086  }
0x1c: {  	p1 =	slt.u32 s9, $0xF7A;
	s5 =	simm.s32 @!p2 $0x0  }
0x1d: {  	s5 =	simm.s32 @p1 $0x1;
	p0 =	seq.s32 s7, s2  }
0x1e: {  	s7 =	smul.u32 @!p0 $0xF7A, s2;
	p2 =	seq.s32 @!p0 s5, $0x0  }
0x1f: {  	s9 =	smul.u32 $0xF7A, s1;
	s8 =	simm.s32 @!p0 $0x1BF5;
	p2 =	por !p2, p0  }
0x20: {  	[sflag:s8] =	ssyncset.s32 @!p0 $0xFFFFF086;
	s6 =	sadd.s32 @!p0 s3, s7;
	s7 =	simm.s32 @!p0 $0x108  }
0x21: {  	s3 =	sadd.s32 s3, s9;
	s6 =	sadd.s32 @!p0 $0x88, s6;
	s7 =	simm.s32 @p2 $0x1082  }
0x22: {  	[simem:s7], [sflag:s8] =	dma.local @!p0 [hbm:s6], $0xF7A  }
0x23: {  	s9 =	sor.u32 $0xD0000000, s2;
	s6 =	simm.s32 $0x108;
	_ =	swait.ge @!p0 [sflag:s8], $0x0  }
0x24: {  	s3 =	sadd.s32 $0x88, s3;
	s6 =	simm.s32 @!p1 $0x1082;
	[sflag:s4] =	ssyncset.s32 $0xFFFFF086  }
0x25: {  	[simem:s6], [sflag:s4] =	dma.local [hbm:s3], $0xF7A  }
0x26: {  	[smem:$0x3F9D] =	sst s1;
	(tag) =	ssettag s2;
	_ =	strace s9  }
0x27: {  	s1 =	sld [smem:$0x3FAD]  }
0x28: {  	s2 =	sld [smem:$0x3FAE]  }
0x29: {  	s4 =	sld [smem:$0x3FB0]  }
0x2a: {  	p0 =	seq.s32 s5, $0x0;
	s5 =	sld [smem:$0x3FB1]  }
0x2b: {  	s6 =	sld [smem:$0x3FB2]  }
0x2c: {  	s7 =	sld [smem:$0x3FB3]  }
0x2d: {  	s3 =	simm.s32 $0x108;
	s8 =	sld [smem:$0x3FB4]  }
0x2e: {  	s3 =	simm.s32 @!p0 $0x1082;
	s9 =	sld [smem:$0x3FB5]  }
0x2f: {  	lr =	sadd.s32 s0, s3;
	s0 =	sld [smem:$0x3FAC]  }
0x30: {  	s3 =	sld [smem:$0x3FAF]  }
0x31: {  	[smem:$0x3FB8] =	sst s10  }
0x32: {  	s10 =	sld [smem:$0x3FB6];
	_ =	sdelay $0x3  }
0x33: {  	p0 =	seq.s32 s10, $0x1;
	s10 =	sld [smem:$0x3FB8];
	_ =	sdelay $0x3  }
0x34: {  	[smem:$0x3FB8] =	sst s10  }
0x35: {  	s10 =	sld [smem:$0x3FB7];
	_ =	sdelay $0x3  }
0x36: {  	p1 =	seq.s32 s10, $0x1;
	s10 =	sld [smem:$0x3FB8];
	_ =	sdelay $0x3  }
0x37: {  	[smem:$0x3FB8] =	sst s10  }
0x38: {  	s10 =	sld [smem:$0x3FB9]  }
0x39: {  	_ = 	snop;
	(pc) =	sbr.ind lr, $3  }
0x3a: {  	_ = 	snop  }
0x3b: {  	_ = 	snop  }
0x3c: {  	p2 =	seq.s32 s10, $0x1;
	s10 =	sld [smem:$0x3FB8]  }
0x3d: {  	_ =	shalt  }
0x3e: {  	_ =	shalt  }
0x3f: {  	_ =	shalt  }
0x40: {  	_ =	shalt  }
0x41: {  	_ =	shalt  }
0x42: {  	_ =	shalt  }
0x43: {  	_ =	shalt  }
0x44: {  	_ =	shalt  }
0x45: {  	_ =	shalt  }
0x46: {  	_ =	shalt  }
0x47: {  	_ =	shalt  }
0x48: {  	_ =	shalt  }
0x49: {  	_ =	shalt  }
0x4a: {  	_ =	shalt  }
0x4b: {  	_ =	shalt  }
0x4c: {  	_ =	shalt  }
0x4d: {  	_ =	shalt  }
0x4e: {  	_ =	shalt  }
0x4f: {  	_ =	shalt  }
0x50: {  	_ =	shalt  }
0x51: {  	_ =	shalt  }
0x52: {  	_ =	shalt  }
0x53: {  	_ =	shalt  }
0x54: {  	_ =	shalt  }
0x55: {  	_ =	shalt  }
0x56: {  	_ =	shalt  }
0x57: {  	_ =	shalt  }
0x58: {  	_ =	shalt  }
0x59: {  	_ =	shalt  }
0x5a: {  	_ =	shalt  }
0x5b: {  	_ =	shalt  }
0x5c: {  	_ =	shalt  }
0x5d: {  	_ =	shalt  }
0x5e: {  	_ =	shalt  }
0x5f: {  	_ =	shalt  }
0x60: {  	_ =	shalt  }
0x61: {  	_ =	shalt  }
0x62: {  	_ =	shalt  }
0x63: {  	_ =	shalt  }
0x64: {  	_ =	shalt  }
0x65: {  	_ =	shalt  }
0x66: {  	_ =	shalt  }
0x67: {  	_ =	shalt  }
0x68: {  	_ =	shalt  }
0x69: {  	_ =	shalt  }
0x6a: {  	_ =	shalt  }
0x6b: {  	_ =	shalt  }
0x6c: {  	_ =	shalt  }
0x6d: {  	_ =	shalt  }
0x6e: {  	_ =	shalt  }
0x6f: {  	_ =	shalt  }
0x70: {  	_ =	shalt  }
0x71: {  	_ =	shalt  }
0x72: {  	_ =	shalt  }
0x73: {  	_ =	shalt  }
0x74: {  	_ =	shalt  }
0x75: {  	_ =	shalt  }
0x76: {  	_ =	shalt  }
0x77: {  	_ =	shalt  }
0x78: {  	_ =	shalt  }
0x79: {  	_ =	shalt  }
0x7a: {  	_ =	shalt  }
0x7b: {  	_ =	shalt  }
0x7c: {  	_ =	shalt  }
0x7d: {  	_ =	shalt  }
0x7e: {  	_ =	shalt  }
0x7f: {  	_ =	shalt  }
0x80: {  	_ =	shalt  }
0x81: {  	_ =	shalt  }
0x82: {  	_ =	shalt  }
0x83: {  	_ =	shalt  }
0x84: {  	_ =	shalt  }
0x85: {  	_ =	shalt  }
0x86: {  	_ =	shalt  }
0x87: {  	_ =	shalt  }
.Lfunc_end0:
.L_simem_size_0:
called_computation.1_lowered:
.L_overlay_start_0:
0x88: {  	s2 =	sld [smem:$0x3FD9]  }
0x89: {  	s3 =	sld [smem:$0x3FFE];
	_ =	sdelay $0x1  }
0x8a: {  	s1 =	srdreg.scid  }
0x8b: {  	s0 =	sand.u32 $0x1, s1  }
0x8c: {  	s17 =	sshll.u32 s0, $0xA;
	s2 =	sadd.s32 s3, s2  }
0x8d: {  	s2 =	sadd.s32 s2, s17  }
0x8e: {  	[smem:$0x3FC4] =	sst s2  }
0x8f: {  	_ = 	snop  }
0x90: {  	s2 =	sld [smem:$0x3FD0];
	(tm) =	ssettm $0x1  }
0x91: {  	s18 =	sld [smem:$0x3FFB];
	_ =	sdelay $0x3  }
0x92: {  	_ =	strace s18  }
0x93: {  	s3 =	sld [smem:$0x3FFC];
	_ =	sdelay $0x3  }
0x94: {  	_ =	strace s3  }
0x95: {  	s3 =	sld [smem:$0x3FFD];
	_ =	sdelay $0x3  }
0x96: {  	_ =	strace s3  }
0x97: {  	_ =	strace $0x8FFFFFFF  }
0x98: {  	s19 =	sld [smem:$0x3FDB];
	_ =	sdelay $0x1  }
0x99: {  	s4 =	simm.s32 $_scs_section_size  }
0x9a: {  	s5 =	simm.s32 $_size__tile_overlayer_lowered;
	s6 =	simm.s32 $_tile_overlayer_lowered  }
0x9b: {  	s22 =	simm.s32 $0x1BFF;
	s21 =	sshll.u32 s6, $0x1;
	s3 =	sadd.s32 s4, s19  }
0x9c: {  	s7 =	simm.s32 $0x0;
	s20 =	sshll.u32 s5, $0x1;
	s5 =	sadd.s32 s21, s3  }
0x9d: {  	[timem:s7], [sflag:s22] =	dma.local [hbm:s5], s20  }
0x9e: {  	_ =	swait.ge [sflag:s22], s20  }
0x9f: {  	s4 =	ssub.s32 $0x0, s20;
	[sflag:s22] =	ssyncset.done $0x0  }
0xa0: {  	[sflag:s22] =	ssyncadd.s32 s4;
	_ =	sdelay $0x1  }
0xa1: {  	s23 =	simm.s32 $0x1B8B  }
0xa2: {  	_ =	swait.ge [sflag:s23], $0x1  }
0xa3: {  	[sflag:s23] =	ssyncset.done $0x0  }
0xa4: {  	s25 =	simm.s32 $0x1B8E;
	s24 =	sld [smem:$0x3FFE];
	[sflag:s23] =	ssyncadd.s32 $0xFFFFFFFF  }
0xa5: {  	s26 =	simm.s32 $execute0_lowered;
	[smem:$0x3FD2] =	sst s25  }
0xa6: {  	s5 =	sshll.u32 s26, $0x1;
	_ =	strace $0x80000049;
	[dreg:$0x1] =	wrdreg $0xFFFFFFFF  }
0xa7: {  	s28 =	simm.s32 $_size_execute0_lowered;
	s3 =	sadd.s32 s3, s5;
	[dreg:$0x0] =	wrdreg $0x0  }
0xa8: {  	s5 =	sshll.u32 s28, $0x1;
	[dreg:$0x2] =	wrdreg s3  }
0xa9: {  	[dreg:$0x3] =	wrdreg s5  }
0xaa: {  	[dreg:$0x4] =	wrdreg $0xC0  }
0xab: {  	_ =	task [dreg:s7], $0x5FFFF  }
0xac: {  	[dreg:$0x1] =	wrdreg $0xFFFFFFFF  }
0xad: {  	[dreg:$0x0] =	wrdreg $0x60  }
0xae: {  	[dreg:$0x2] =	wrdreg s2  }
0xaf: {  	[dreg:$0x3] =	wrdreg s24  }
0xb0: {  	[dreg:$0x4] =	wrdreg $0xB0000  }
0xb1: {  	[dreg:$0x5] =	wrdreg $0x9  }
0xb2: {  	_ =	task.clear_ibuf [dreg:s7], $0x6FFFF;
	_ =	strace $0x90000049  }
0xb3: {  	s29 =	simm.s32 $0x9;
	_ =	strace $0x8000004B  }
0xb4: {  	_ =	swait.ge [sflag:s29], $0x1  }
0xb5: {  	[sflag:s29] =	ssyncadd.s32 $0xFFFFFFFF  }
0xb6: {  	_ =	strace $0x9000004B  }
0xb7: {  	_ =	sfence  }
0xb8: {  	s30 =	sld [smem:$0x0];
	_ =	sdelay $0x2  }
0xb9: {  	s31 =	sshll.u32 s1, $0xD;
	s1 =	sshrl.u32 s1, $0x2  }
0xba: {  	s3 =	sand.u32 $0x4000, s31;
	s1 =	sadd.s32 s1, s30  }
0xbb: {  	s0 =	sor.u32 s3, s0;
	s1 =	sshll.u32 s1, $0x11  }
0xbc: {  	s0 =	sor.u32 s1, s0  }
0xbd: {  	s0 =	sadd.s32 $0x8F2B, s0  }
0xbe: {  	[sflag:s0] =	ssyncadd.remote.s32 $0x1  }
0xbf: {  	_ =	sfence.sel $0xFFFF  }
0xc0: {  	[dreg:$0x0] =	wrdreg $0xFFFFFFFF;
	(pc) =	sbr.abs _section_cstart, $3  }
0xc1: {  	[dreg:$0x1] =	wrdreg $0xFFFFFFFF  }
0xc2: {  	_ =	task.clear_ibuf [dreg:s7], $0x2FFFF;
	_ =	strace $0x9FFFFFFF  }
0xc3: {  	(tm) =	ssettm $0x7FFFFFFF  }
tec
execute0_lowered:
.L_overlay_start_1:
0x0: {  	(tag) =	ssettag $0x1  }
0x1: {  	s0 =	rddreg [dreg:$0x0]  }
0x2: {  	s2 =	rddreg [dreg:$0x1]  }
0x3: {  	s1 =	rddreg [dreg:$0x2]  }
0x4: {  	s3 =	simm.s32 $0x0;
	s20 =	srdreg.scid;
	s9 =	stileid.u32  }
0x5: {  	s18 =	simm.s32 $0x5;
	s19 =	simm.s32 $0x3000;
	s28 =	simm.s32 $0x2E00  }
0x6: {  	s29 =	simm.s32 $0x2;
	s30 =	simm.s32 $0x2D80;
	s31 =	simm.s32 $0x4  }
0x7: {  	[smem:$0x7FF] =	sst s3;
	s4 =	sadd.s32 $0x29400, s2;
	s3 =	sand.u32 $0x1, s20  }
0x8: {  	s21 =	sshll.u32 s9, $0x1;
	s5 =	sadd.s32 $0x1400, s2;
	s6 =	smul.u32 $0x50000, s9  }
0x9: {  	s2 =	sadd.s32 $0x29C00, s2;
	s11 =	smul.u32 $0x14000, s9;
	s20 =	simm.s32 $0x3  }
0xa: {  	_ =	strace $0x8000004A;
	[dreg:$0x4] =	wrdreg s4;
	s4 =	sor.u32 s3, s21  }
0xb: {  	s7 =	ssub.s32 $0x2, s3;
	s3 =	smul.u32 $0x140000, s3;
	s21 =	simm.s32 $0x80  }
0xc: {  	s4 =	smul.u32 $0x580, s4;
	s8 =	sshrl.u32 s7, $0x1;
	s6 =	sshrl.u32 s6, $0x2  }
0xd: {  	s22 =	sadd.s32 $0x4000, s11;
	s23 =	sadd.s32 $0x8000, s11;
	s24 =	sadd.s32 $0xC000, s11  }
0xe: {  	s14 =	sadd.s32 $0x10000, s11;
	s12 =	ssub.s32 s7, s8;
	s7 =	sadd.s32 s6, s1  }
0xf: {  	s8 =	sadd.s32 s22, s1;
	s9 =	sadd.s32 s23, s1;
	s10 =	sadd.s32 s24, s1  }
0x10: {  	s13 =	sadd.s32 s11, s3;
	s11 =	sadd.s32 s14, s1;
	s25 =	sadd.s32 s3, s23  }
0x11: {  	s26 =	sadd.s32 s3, s24;
	s23 =	simm.s32 $0x2D00;
	s24 =	simm.s32 $0x7000  }
0x12: {  	s0 =	sadd.s32 s0, s4;
	s13 =	sshrl.u32 s13, $0x3;
	s4 =	sshrl.u32 s26, $0x3  }
0x13: {  	s17 =	smax.u32 s12, $0x1;
	s26 =	simm.s32 $0x2C80;
	[dreg:$0x5] =	wrdreg s0  }
0x14: {  	s0 =	sadd.s32 s3, s22;
	s13 =	sadd.s32 s2, s13;
	s3 =	sadd.s32 s3, s14  }
0x15: {  	s15 =	sadd.s32 s2, s4;
	s22 =	simm.s32 $0x2C00;
	s4 =	simm.s32 $0x0  }
0x16: {  	s0 =	sshrl.u32 s0, $0x3;
	[dreg:$0x6] =	wrdreg s13;
	s3 =	sshrl.u32 s3, $0x3  }
0x17: {  	s0 =	sadd.s32 s2, s0;
	s16 =	sadd.s32 s2, s3;
	s3 =	simm.s32 $0x2F80  }
0x18: {  	[dreg:$0x7] =	wrdreg s0;
	s0 =	sshrl.u32 s25, $0x3;
	s25 =	simm.s32 $0x1  }
0x19: {  	s14 =	sadd.s32 s2, s0;
	s0 =	simm.s32 $0x2F00;
	s2 =	simm.s32 $0x2E80  }
.LBB2_1:
0x1a: {  	s6 =	simm.s32 $0x0;
	s12 =	rddreg [dreg:$0x5]  }
0x1b: {  	[tilespmem:s6], [sflag:$0x5] =	stream.linear.gather [hbm4b:s12+s6], $0x2900, $0x38;
	[tilespmem:$0x1F000] =	vst v63  }
0x1c: {  	_ =	swait.ge [sflag:s18], $0x2900  }
0x1d: {  	[sflag:s18] =	ssyncset.done $0x0  }
0x1e: {  	s13 =	rddreg [dreg:$0x4];
	[sflag:s18] =	ssyncadd.s32 $0xFFFFD700  }
0x1f: {  	[tilespmem:s19], [sflag:$0x5] =	stream.linear.gather [hbm4b:s13+s6], $0x4000, $0x38;
	[tilespmem:$0x1F000] =	vst v63  }
0x20: {  	_ =	swait.ge [sflag:s18], $0x4000  }
0x21: {  	[sflag:s18] =	ssyncset.done $0x0  }
0x22: {  	[sflag:s18] =	ssyncadd.s32 $0xFFFFC000  }
0x23: {  	[spmem:s7] =	stream.linear.scatter [tilespmem:s19], [sflag:$0x3], $0x4000, $0x38;
	[tilespmem:$0x1F000] =	vst v63  }
0x24: {  	_ = 	snop  }
0x25: {  	[spmem:s8] =	stream.linear.scatter [tilespmem:s19], [sflag:$0x3], $0x4000, $0x38;
	[tilespmem:$0x1F000] =	vst v63  }
0x26: {  	_ = 	snop  }
0x27: {  	[spmem:s9] =	stream.linear.scatter [tilespmem:s19], [sflag:$0x3], $0x4000, $0x38;
	[tilespmem:$0x1F000] =	vst v63  }
0x28: {  	_ = 	snop  }
0x29: {  	[spmem:s10] =	stream.linear.scatter [tilespmem:s19], [sflag:$0x3], $0x4000, $0x38;
	[tilespmem:$0x1F000] =	vst v63  }
0x2a: {  	_ = 	snop  }
0x2b: {  	[spmem:s11] =	stream.linear.scatter [tilespmem:s19], [sflag:$0x3], $0x4000, $0x38;
	[tilespmem:$0x1F000] =	vst v63  }
0x2c: {  	_ =	swait.ge [sflag:s20], $0x4000  }
0x2d: {  	[sflag:s20] =	ssyncset.done $0x0  }
0x2e: {  	[sflag:s20] =	ssyncadd.s32 $0xFFFFC000  }
0x2f: {  	_ =	swait.ge [sflag:s20], $0x4000  }
0x30: {  	[sflag:s20] =	ssyncset.done $0x0  }
0x31: {  	[sflag:s20] =	ssyncadd.s32 $0xFFFFC000  }
0x32: {  	_ =	swait.ge [sflag:s20], $0x4000  }
0x33: {  	[sflag:s20] =	ssyncset.done $0x0  }
0x34: {  	[sflag:s20] =	ssyncadd.s32 $0xFFFFC000  }
0x35: {  	_ =	swait.ge [sflag:s20], $0x4000  }
0x36: {  	[sflag:s20] =	ssyncset.done $0x0  }
0x37: {  	[sflag:s20] =	ssyncadd.s32 $0xFFFFC000  }
0x38: {  	_ =	swait.ge [sflag:s20], $0x4000  }
0x39: {  	[sflag:s20] =	ssyncset.done $0x0  }
0x3a: {  	[sflag:s20] =	ssyncadd.s32 $0xFFFFC000  }
0x3b: {  	[bflag:$0x0] =	sbarrier.arrive $0xFFFF  }
0x3c: {  	v0 =	vld [tilespmem:$0x0];
	_ =	sdelay $0x1  }
0x3d: {  	v1 =	vld [tilespmem:$0x10];
	_ =	sdelay $0x1  }
0x3e: {  	v2 =	vld [tilespmem:$0x20]  }
0x3f: {  	v3 =	vand.u32 $0x3FFF, v0  }
0x40: {  	v0 =	vshrl.u32 v0, $0xE;
	[tilespmem:$0x2C00] =	vst v3;
	v3 =	vld [tilespmem:$0x30]  }
0x41: {  	[tilespmem:$0x2C80] =	vst v0;
	v0 =	vand.u32 $0x3FFF, v1  }
0x42: {  	[tilespmem:$0x2C10] =	vst v0;
	v0 =	vshrl.u32 v1, $0xE;
	v1 =	vld [tilespmem:$0x40]  }
0x43: {  	[tilespmem:$0x2C90] =	vst v0;
	v0 =	vand.u32 $0x3FFF, v2  }
0x44: {  	[tilespmem:$0x2C20] =	vst v0;
	v0 =	vshrl.u32 v2, $0xE;
	v2 =	vld [tilespmem:$0x50]  }
0x45: {  	[tilespmem:$0x2CA0] =	vst v0;
	v0 =	vand.u32 $0x3FFF, v3  }
0x46: {  	[tilespmem:$0x2C30] =	vst v0;
	v0 =	vshrl.u32 v3, $0xE;
	v3 =	vld [tilespmem:$0x60]  }
0x47: {  	[tilespmem:$0x2CB0] =	vst v0;
	v0 =	vand.u32 $0x3FFF, v1  }
0x48: {  	[tilespmem:$0x2C40] =	vst v0;
	v0 =	vshrl.u32 v1, $0xE;
	v1 =	vld [tilespmem:$0x70]  }
0x49: {  	[tilespmem:$0x2CC0] =	vst v0;
	v0 =	vand.u32 $0x3FFF, v2  }
0x4a: {  	[tilespmem:$0x2C50] =	vst v0;
	v0 =	vshrl.u32 v2, $0xE  }
0x4b: {  	[tilespmem:$0x2CD0] =	vst v0;
	v0 =	vand.u32 $0x3FFF, v3  }
0x4c: {  	[tilespmem:$0x2C60] =	vst v0;
	v0 =	vshrl.u32 v3, $0xE  }
0x4d: {  	[tilespmem:$0x2CE0] =	vst v0;
	v0 =	vand.u32 $0x3FFF, v1  }
0x4e: {  	[tilespmem:$0x2C70] =	vst v0;
	v0 =	vshrl.u32 v1, $0xE  }
0x4f: {  	s6 =	simm.s32 $0x0;
	[tilespmem:$0x2CF0] =	vst v0  }
0x50: {  	[tilespmem:s19], [sflag:$0x1] =	stream.indirect.gather [hbm4b:s5+s21], $0x80, s22, s21, $0xb8;
	[tilespmem:$0x1F000] =	vst v63  }
0x51: {  	v0 =	vld [tilespmem:s6+$0x80];
	_ =	sdelay $0x4  }
0x52: {  	v1 =	vand.u32 $0x3FFF, v0  }
0x53: {  	v0 =	vshrl.u32 v0, $0xE;
	[tilespmem:$0x2D00] =	vst v1  }
0x54: {  	[tilespmem:$0x2D80] =	vst v0  }
0x55: {  	v0 =	vld [tilespmem:s6+$0x90];
	_ =	sdelay $0x4  }
0x56: {  	v1 =	vand.u32 $0x3FFF, v0  }
0x57: {  	v0 =	vshrl.u32 v0, $0xE;
	[tilespmem:$0x2D10] =	vst v1  }
0x58: {  	[tilespmem:$0x2D90] =	vst v0  }
0x59: {  	v0 =	vld [tilespmem:s6+$0xA0];
	_ =	sdelay $0x4  }
0x5a: {  	v1 =	vand.u32 $0x3FFF, v0  }
0x5b: {  	v0 =	vshrl.u32 v0, $0xE;
	[tilespmem:$0x2D20] =	vst v1  }
0x5c: {  	[tilespmem:$0x2DA0] =	vst v0  }
0x5d: {  	v0 =	vld [tilespmem:s6+$0xB0];
	_ =	sdelay $0x4  }
0x5e: {  	v1 =	vand.u32 $0x3FFF, v0  }
0x5f: {  	v0 =	vshrl.u32 v0, $0xE;
	[tilespmem:$0x2D30] =	vst v1  }
0x60: {  	[tilespmem:$0x2DB0] =	vst v0  }
0x61: {  	v0 =	vld [tilespmem:s6+$0xC0];
	_ =	sdelay $0x4  }
0x62: {  	v1 =	vand.u32 $0x3FFF, v0  }
0x63: {  	v0 =	vshrl.u32 v0, $0xE;
	[tilespmem:$0x2D40] =	vst v1  }
0x64: {  	[tilespmem:$0x2DC0] =	vst v0  }
0x65: {  	v0 =	vld [tilespmem:s6+$0xD0];
	_ =	sdelay $0x4  }
0x66: {  	v1 =	vand.u32 $0x3FFF, v0  }
0x67: {  	v0 =	vshrl.u32 v0, $0xE;
	[tilespmem:$0x2D50] =	vst v1  }
0x68: {  	[tilespmem:$0x2DD0] =	vst v0  }
0x69: {  	v0 =	vld [tilespmem:s6+$0xE0];
	_ =	sdelay $0x4  }
0x6a: {  	v1 =	vand.u32 $0x3FFF, v0  }
0x6b: {  	v0 =	vshrl.u32 v0, $0xE;
	[tilespmem:$0x2D60] =	vst v1  }
0x6c: {  	[tilespmem:$0x2DE0] =	vst v0  }
0x6d: {  	v0 =	vld [tilespmem:s6+$0xF0];
	_ =	sdelay $0x4  }
0x6e: {  	v1 =	vand.u32 $0x3FFF, v0  }
0x6f: {  	p0 =	por $0x1, $0x1;
	v0 =	vshrl.u32 v0, $0xE;
	[tilespmem:$0x2D70] =	vst v1  }
0x70: {  	s12 =	simm.s32 @!p0 $0x4;
	[tilespmem:$0x2DF0] =	vst v0  }
0x71: {  	_ =	swait.ge @!p0 [sflag:s12], $0x4000  }
0x72: {  	[sflag:s12] =	ssyncset.done @!p0 $0x0  }
0x73: {  	[sflag:s12] =	ssyncadd.s32 @!p0 $0xFFFFC000  }
0x74: {  	[tilespmem:s24], [sflag:$0x2] =	stream.indirect.gather [hbm4b:s5+s21], $0x80, s23, s21, $0xb8;
	[tilespmem:$0x1F000] =	vst v63  }
0x75: {  	_ =	swait.ge [sflag:s25], $0x4000  }
0x76: {  	[sflag:s25] =	ssyncset.done $0x0  }
0x77: {  	[sflag:s25] =	ssyncadd.s32 $0xFFFFC000  }
0x78: {  	[spmem:s1] =	stream.indirect.scatter.add.f32 [tilespmem:s19], [sflag:$0x3], $0x80, s26, s21, $0xb8;
	[tilespmem:$0x1F000] =	vst v63  }
0x79: {  	v0 =	vld [tilespmem:s6+$0x100];
	_ =	sdelay $0x4  }
0x7a: {  	v1 =	vand.u32 $0x3FFF, v0  }
0x7b: {  	v0 =	vshrl.u32 v0, $0xE;
	[tilespmem:$0x2E00] =	vst v1  }
0x7c: {  	[tilespmem:$0x2E80] =	vst v0  }
0x7d: {  	v0 =	vld [tilespmem:s6+$0x110];
	_ =	sdelay $0x4  }
0x7e: {  	v1 =	vand.u32 $0x3FFF, v0  }
0x7f: {  	v0 =	vshrl.u32 v0, $0xE;
	[tilespmem:$0x2E10] =	vst v1  }
0x80: {  	[tilespmem:$0x2E90] =	vst v0  }
0x81: {  	v0 =	vld [tilespmem:s6+$0x120];
	_ =	sdelay $0x4  }
0x82: {  	v1 =	vand.u32 $0x3FFF, v0  }
0x83: {  	v0 =	vshrl.u32 v0, $0xE;
	[tilespmem:$0x2E20] =	vst v1  }
0x84: {  	[tilespmem:$0x2EA0] =	vst v0  }
0x85: {  	v0 =	vld [tilespmem:s6+$0x130];
	_ =	sdelay $0x4  }
0x86: {  	v1 =	vand.u32 $0x3FFF, v0  }
0x87: {  	v0 =	vshrl.u32 v0, $0xE;
	[tilespmem:$0x2E30] =	vst v1  }
0x88: {  	[tilespmem:$0x2EB0] =	vst v0  }
0x89: {  	v0 =	vld [tilespmem:s6+$0x140];
	_ =	sdelay $0x4  }
0x8a: {  	v1 =	vand.u32 $0x3FFF, v0  }
0x8b: {  	v0 =	vshrl.u32 v0, $0xE;
	[tilespmem:$0x2E40] =	vst v1  }
0x8c: {  	[tilespmem:$0x2EC0] =	vst v0  }
0x8d: {  	v0 =	vld [tilespmem:s6+$0x150];
	_ =	sdelay $0x4  }
0x8e: {  	v1 =	vand.u32 $0x3FFF, v0  }
0x8f: {  	v0 =	vshrl.u32 v0, $0xE;
	[tilespmem:$0x2E50] =	vst v1  }
0x90: {  	[tilespmem:$0x2ED0] =	vst v0  }
0x91: {  	v0 =	vld [tilespmem:s6+$0x160];
	_ =	sdelay $0x4  }
0x92: {  	v1 =	vand.u32 $0x3FFF, v0  }
0x93: {  	v0 =	vshrl.u32 v0, $0xE;
	[tilespmem:$0x2E60] =	vst v1  }
0x94: {  	[tilespmem:$0x2EE0] =	vst v0  }
0x95: {  	v0 =	vld [tilespmem:s6+$0x170];
	_ =	sdelay $0x4  }
0x96: {  	v1 =	vand.u32 $0x3FFF, v0  }
0x97: {  	v0 =	vshrl.u32 v0, $0xE;
	[tilespmem:$0x2E70] =	vst v1  }
0x98: {  	[tilespmem:$0x2EF0] =	vst v0  }
0x99: {  	_ =	swait.ge [sflag:s20], $0x4000  }
0x9a: {  	[sflag:s20] =	ssyncset.done $0x0  }
0x9b: {  	[sflag:s20] =	ssyncadd.s32 $0xFFFFC000  }
0x9c: {  	[tilespmem:s19], [sflag:$0x1] =	stream.indirect.gather [hbm4b:s5+s21], $0x80, s28, s21, $0xb8;
	[tilespmem:$0x1F000] =	vst v63  }
0x9d: {  	_ =	swait.ge [sflag:s29], $0x4000  }
0x9e: {  	[sflag:s29] =	ssyncset.done $0x0  }
0x9f: {  	[sflag:s29] =	ssyncadd.s32 $0xFFFFC000  }
0xa0: {  	[spmem:s1] =	stream.indirect.scatter.add.f32 [tilespmem:s24], [sflag:$0x4], $0x80, s30, s21, $0xb8;
	[tilespmem:$0x1F000] =	vst v63  }
0xa1: {  	v0 =	vld [tilespmem:s6+$0x180];
	_ =	sdelay $0x4  }
0xa2: {  	v1 =	vand.u32 $0x3FFF, v0  }
0xa3: {  	v0 =	vshrl.u32 v0, $0xE;
	[tilespmem:$0x2F00] =	vst v1  }
0xa4: {  	[tilespmem:$0x2F80] =	vst v0  }
0xa5: {  	v0 =	vld [tilespmem:s6+$0x190];
	_ =	sdelay $0x4  }
0xa6: {  	v1 =	vand.u32 $0x3FFF, v0  }
0xa7: {  	v0 =	vshrl.u32 v0, $0xE;
	[tilespmem:$0x2F10] =	vst v1  }
0xa8: {  	[tilespmem:$0x2F90] =	vst v0  }
0xa9: {  	v0 =	vld [tilespmem:s6+$0x1A0];
	_ =	sdelay $0x4  }
0xaa: {  	v1 =	vand.u32 $0x3FFF, v0  }
0xab: {  	v0 =	vshrl.u32 v0, $0xE;
	[tilespmem:$0x2F20] =	vst v1  }
0xac: {  	[tilespmem:$0x2FA0] =	vst v0  }
0xad: {  	v0 =	vld [tilespmem:s6+$0x1B0];
	_ =	sdelay $0x4  }
0xae: {  	v1 =	vand.u32 $0x3FFF, v0  }
0xaf: {  	v0 =	vshrl.u32 v0, $0xE;
	[tilespmem:$0x2F30] =	vst v1  }
0xb0: {  	[tilespmem:$0x2FB0] =	vst v0  }
0xb1: {  	v0 =	vld [tilespmem:s6+$0x1C0];
	_ =	sdelay $0x4  }
0xb2: {  	v1 =	vand.u32 $0x3FFF, v0  }
0xb3: {  	v0 =	vshrl.u32 v0, $0xE;
	[tilespmem:$0x2F40] =	vst v1  }
0xb4: {  	[tilespmem:$0x2FC0] =	vst v0  }
0xb5: {  	v0 =	vld [tilespmem:s6+$0x1D0];
	_ =	sdelay $0x4  }
0xb6: {  	v1 =	vand.u32 $0x3FFF, v0  }
0xb7: {  	v0 =	vshrl.u32 v0, $0xE;
	[tilespmem:$0x2F50] =	vst v1  }
0xb8: {  	[tilespmem:$0x2FD0] =	vst v0  }
0xb9: {  	v0 =	vld [tilespmem:s6+$0x1E0];
	_ =	sdelay $0x4  }
0xba: {  	v1 =	vand.u32 $0x3FFF, v0  }
0xbb: {  	v0 =	vshrl.u32 v0, $0xE;
	[tilespmem:$0x2F60] =	vst v1  }
0xbc: {  	[tilespmem:$0x2FE0] =	vst v0  }
0xbd: {  	v0 =	vld [tilespmem:s6+$0x1F0];
	_ =	sdelay $0x4  }
0xbe: {  	v1 =	vand.u32 $0x3FFF, v0  }
0xbf: {  	v0 =	vshrl.u32 v0, $0xE;
	[tilespmem:$0x2F70] =	vst v1  }
0xc0: {  	[tilespmem:$0x2FF0] =	vst v0  }
0xc1: {  	_ =	swait.ge [sflag:s31], $0x4000  }
0xc2: {  	[sflag:s31] =	ssyncset.done $0x0  }
0xc3: {  	[sflag:s31] =	ssyncadd.s32 $0xFFFFC000  }
0xc4: {  	[tilespmem:s24], [sflag:$0x2] =	stream.indirect.gather [hbm4b:s5+s21], $0x80, s0, s21, $0xb8;
	[tilespmem:$0x1F000] =	vst v63  }
0xc5: {  	_ =	swait.ge [sflag:s25], $0x4000  }
0xc6: {  	[sflag:s25] =	ssyncset.done $0x0  }
0xc7: {  	[sflag:s25] =	ssyncadd.s32 $0xFFFFC000  }
0xc8: {  	[spmem:s1] =	stream.indirect.scatter.add.f32 [tilespmem:s19], [sflag:$0x3], $0x80, s2, s21, $0xb8;
	[tilespmem:$0x1F000] =	vst v63  }
0xc9: {  	v0 =	vld [tilespmem:s6+$0x200];
	_ =	sdelay $0x4  }
0xca: {  	v1 =	vand.u32 $0x3FFF, v0  }
0xcb: {  	v0 =	vshrl.u32 v0, $0xE;
	[tilespmem:$0x2C00] =	vst v1  }
0xcc: {  	[tilespmem:$0x2C80] =	vst v0  }
0xcd: {  	v0 =	vld [tilespmem:s6+$0x210];
	_ =	sdelay $0x4  }
0xce: {  	v1 =	vand.u32 $0x3FFF, v0  }
0xcf: {  	v0 =	vshrl.u32 v0, $0xE;
	[tilespmem:$0x2C10] =	vst v1  }
0xd0: {  	[tilespmem:$0x2C90] =	vst v0  }
0xd1: {  	v0 =	vld [tilespmem:s6+$0x220];
	_ =	sdelay $0x4  }
0xd2: {  	v1 =	vand.u32 $0x3FFF, v0  }
0xd3: {  	v0 =	vshrl.u32 v0, $0xE;
	[tilespmem:$0x2C20] =	vst v1  }
0xd4: {  	[tilespmem:$0x2CA0] =	vst v0  }
0xd5: {  	v0 =	vld [tilespmem:s6+$0x230];
	_ =	sdelay $0x4  }
0xd6: {  	v1 =	vand.u32 $0x3FFF, v0  }
0xd7: {  	v0 =	vshrl.u32 v0, $0xE;
	[tilespmem:$0x2C30] =	vst v1  }
0xd8: {  	[tilespmem:$0x2CB0] =	vst v0  }
0xd9: {  	v0 =	vld [tilespmem:s6+$0x240];
	_ =	sdelay $0x4  }
0xda: {  	v1 =	vand.u32 $0x3FFF, v0  }
0xdb: {  	s12 =	simm.s32 $0x800;
	v0 =	vshrl.u32 v0, $0xE;
	[tilespmem:$0x2C40] =	vst v1  }
.LBB2_2:
0xdc: {  	[tilespmem:$0x2CC0] =	vst v0;
	s13 =	smov.u32 s12;
	s12 =	sadd.s32 $0x800, s12  }
0xdd: {  	p0 =	sne.s32 s12, $0xA000;
	v0 =	vld [tilespmem:s6+$0x250];
	_ =	sdelay $0x4  }
0xde: {  	v1 =	vand.u32 $0x3FFF, v0;
	v0 =	vshrl.u32 v0, $0xE  }
0xdf: {  	[tilespmem:$0x2C50] =	vst v1  }
0xe0: {  	[tilespmem:$0x2CD0] =	vst v0  }
0xe1: {  	v0 =	vld [tilespmem:s6+$0x260];
	_ =	sdelay $0x4  }
0xe2: {  	v1 =	vand.u32 $0x3FFF, v0;
	v0 =	vshrl.u32 v0, $0xE  }
0xe3: {  	[tilespmem:$0x2C60] =	vst v1  }
0xe4: {  	[tilespmem:$0x2CE0] =	vst v0  }
0xe5: {  	v0 =	vld [tilespmem:s6+$0x270];
	_ =	sdelay $0x4  }
0xe6: {  	v1 =	vand.u32 $0x3FFF, v0;
	v0 =	vshrl.u32 v0, $0xE  }
0xe7: {  	[tilespmem:$0x2C70] =	vst v1  }
0xe8: {  	[tilespmem:$0x2CF0] =	vst v0  }
0xe9: {  	_ =	swait.ge [sflag:s20], $0x4000  }
0xea: {  	[sflag:s20] =	ssyncset.done $0x0  }
0xeb: {  	[sflag:s20] =	ssyncadd.s32 $0xFFFFC000  }
0xec: {  	[tilespmem:s19], [sflag:$0x1] =	stream.indirect.gather [hbm4b:s5+s21], $0x80, s22, s21, $0xb8;
	[tilespmem:$0x1F000] =	vst v63  }
0xed: {  	_ =	swait.ge [sflag:s29], $0x4000  }
0xee: {  	[sflag:s29] =	ssyncset.done $0x0  }
0xef: {  	s6 =	sshra.s32 s13, $0x2;
	[sflag:s29] =	ssyncadd.s32 $0xFFFFC000  }
0xf0: {  	[spmem:s1] =	stream.indirect.scatter.add.f32 [tilespmem:s24], [sflag:$0x4], $0x80, s3, s21, $0xb8;
	[tilespmem:$0x1F000] =	vst v63  }
0xf1: {  	v0 =	vld [tilespmem:s6+$0x80];
	_ =	sdelay $0x4  }
0xf2: {  	v1 =	vand.u32 $0x3FFF, v0;
	v0 =	vshrl.u32 v0, $0xE  }
0xf3: {  	[tilespmem:$0x2D00] =	vst v1  }
0xf4: {  	[tilespmem:$0x2D80] =	vst v0  }
0xf5: {  	v0 =	vld [tilespmem:s6+$0x90];
	_ =	sdelay $0x4  }
0xf6: {  	v1 =	vand.u32 $0x3FFF, v0;
	v0 =	vshrl.u32 v0, $0xE  }
0xf7: {  	[tilespmem:$0x2D10] =	vst v1  }
0xf8: {  	[tilespmem:$0x2D90] =	vst v0  }
0xf9: {  	v0 =	vld [tilespmem:s6+$0xA0];
	_ =	sdelay $0x4  }
0xfa: {  	v1 =	vand.u32 $0x3FFF, v0;
	v0 =	vshrl.u32 v0, $0xE  }
0xfb: {  	[tilespmem:$0x2D20] =	vst v1  }
0xfc: {  	[tilespmem:$0x2DA0] =	vst v0  }
0xfd: {  	v0 =	vld [tilespmem:s6+$0xB0];
	_ =	sdelay $0x4  }
0xfe: {  	v1 =	vand.u32 $0x3FFF, v0;
	v0 =	vshrl.u32 v0, $0xE  }
0xff: {  	[tilespmem:$0x2D30] =	vst v1  }
0x100: {  	[tilespmem:$0x2DB0] =	vst v0  }
0x101: {  	v0 =	vld [tilespmem:s6+$0xC0];
	_ =	sdelay $0x4  }
0x102: {  	v1 =	vand.u32 $0x3FFF, v0;
	v0 =	vshrl.u32 v0, $0xE  }
0x103: {  	[tilespmem:$0x2D40] =	vst v1  }
0x104: {  	[tilespmem:$0x2DC0] =	vst v0  }
0x105: {  	v0 =	vld [tilespmem:s6+$0xD0];
	_ =	sdelay $0x4  }
0x106: {  	v1 =	vand.u32 $0x3FFF, v0;
	v0 =	vshrl.u32 v0, $0xE  }
0x107: {  	[tilespmem:$0x2D50] =	vst v1  }
0x108: {  	[tilespmem:$0x2DD0] =	vst v0  }
0x109: {  	v0 =	vld [tilespmem:s6+$0xE0];
	_ =	sdelay $0x4  }
0x10a: {  	v1 =	vand.u32 $0x3FFF, v0;
	v0 =	vshrl.u32 v0, $0xE  }
0x10b: {  	p1 =	seq.s32 s13, $0x0;
	[tilespmem:$0x2D60] =	vst v1  }
0x10c: {  	s13 =	simm.s32 @!p1 $0x4;
	[tilespmem:$0x2DE0] =	vst v0  }
0x10d: {  	v0 =	vld [tilespmem:s6+$0xF0];
	_ =	sdelay $0x4  }
0x10e: {  	v1 =	vand.u32 $0x3FFF, v0;
	v0 =	vshrl.u32 v0, $0xE  }
0x10f: {  	[tilespmem:$0x2D70] =	vst v1  }
0x110: {  	[tilespmem:$0x2DF0] =	vst v0  }
0x111: {  	_ =	swait.ge @!p1 [sflag:s13], $0x4000  }
0x112: {  	[sflag:s13] =	ssyncset.done @!p1 $0x0  }
0x113: {  	[sflag:s13] =	ssyncadd.s32 @!p1 $0xFFFFC000  }
0x114: {  	[tilespmem:s24], [sflag:$0x2] =	stream.indirect.gather [hbm4b:s5+s21], $0x80, s23, s21, $0xb8;
	[tilespmem:$0x1F000] =	vst v63  }
0x115: {  	_ =	swait.ge [sflag:s25], $0x4000  }
0x116: {  	[sflag:s25] =	ssyncset.done $0x0  }
0x117: {  	[sflag:s25] =	ssyncadd.s32 $0xFFFFC000  }
0x118: {  	[spmem:s1] =	stream.indirect.scatter.add.f32 [tilespmem:s19], [sflag:$0x3], $0x80, s26, s21, $0xb8;
	[tilespmem:$0x1F000] =	vst v63  }
0x119: {  	v0 =	vld [tilespmem:s6+$0x100];
	_ =	sdelay $0x4  }
0x11a: {  	v1 =	vand.u32 $0x3FFF, v0;
	v0 =	vshrl.u32 v0, $0xE  }
0x11b: {  	[tilespmem:$0x2E00] =	vst v1  }
0x11c: {  	[tilespmem:$0x2E80] =	vst v0  }
0x11d: {  	v0 =	vld [tilespmem:s6+$0x110];
	_ =	sdelay $0x4  }
0x11e: {  	v1 =	vand.u32 $0x3FFF, v0;
	v0 =	vshrl.u32 v0, $0xE  }
0x11f: {  	[tilespmem:$0x2E10] =	vst v1  }
0x120: {  	[tilespmem:$0x2E90] =	vst v0  }
0x121: {  	v0 =	vld [tilespmem:s6+$0x120];
	_ =	sdelay $0x4  }
0x122: {  	v1 =	vand.u32 $0x3FFF, v0;
	v0 =	vshrl.u32 v0, $0xE  }
0x123: {  	[tilespmem:$0x2E20] =	vst v1  }
0x124: {  	[tilespmem:$0x2EA0] =	vst v0  }
0x125: {  	v0 =	vld [tilespmem:s6+$0x130];
	_ =	sdelay $0x4  }
0x126: {  	v1 =	vand.u32 $0x3FFF, v0;
	v0 =	vshrl.u32 v0, $0xE  }
0x127: {  	[tilespmem:$0x2E30] =	vst v1  }
0x128: {  	[tilespmem:$0x2EB0] =	vst v0  }
0x129: {  	v0 =	vld [tilespmem:s6+$0x140];
	_ =	sdelay $0x4  }
0x12a: {  	v1 =	vand.u32 $0x3FFF, v0;
	v0 =	vshrl.u32 v0, $0xE  }
0x12b: {  	[tilespmem:$0x2E40] =	vst v1  }
0x12c: {  	[tilespmem:$0x2EC0] =	vst v0  }
0x12d: {  	v0 =	vld [tilespmem:s6+$0x150];
	_ =	sdelay $0x4  }
0x12e: {  	v1 =	vand.u32 $0x3FFF, v0;
	v0 =	vshrl.u32 v0, $0xE  }
0x12f: {  	[tilespmem:$0x2E50] =	vst v1  }
0x130: {  	[tilespmem:$0x2ED0] =	vst v0  }
0x131: {  	v0 =	vld [tilespmem:s6+$0x160];
	_ =	sdelay $0x4  }
0x132: {  	v1 =	vand.u32 $0x3FFF, v0;
	v0 =	vshrl.u32 v0, $0xE  }
0x133: {  	[tilespmem:$0x2E60] =	vst v1  }
0x134: {  	[tilespmem:$0x2EE0] =	vst v0  }
0x135: {  	v0 =	vld [tilespmem:s6+$0x170];
	_ =	sdelay $0x4  }
0x136: {  	v1 =	vand.u32 $0x3FFF, v0;
	v0 =	vshrl.u32 v0, $0xE  }
0x137: {  	[tilespmem:$0x2E70] =	vst v1  }
0x138: {  	[tilespmem:$0x2EF0] =	vst v0  }
0x139: {  	_ =	swait.ge [sflag:s20], $0x4000  }
0x13a: {  	[sflag:s20] =	ssyncset.done $0x0  }
0x13b: {  	[sflag:s20] =	ssyncadd.s32 $0xFFFFC000  }
0x13c: {  	[tilespmem:s19], [sflag:$0x1] =	stream.indirect.gather [hbm4b:s5+s21], $0x80, s28, s21, $0xb8;
	[tilespmem:$0x1F000] =	vst v63  }
0x13d: {  	_ =	swait.ge [sflag:s29], $0x4000  }
0x13e: {  	[sflag:s29] =	ssyncset.done $0x0  }
0x13f: {  	[sflag:s29] =	ssyncadd.s32 $0xFFFFC000  }
0x140: {  	[spmem:s1] =	stream.indirect.scatter.add.f32 [tilespmem:s24], [sflag:$0x4], $0x80, s30, s21, $0xb8;
	[tilespmem:$0x1F000] =	vst v63  }
0x141: {  	v0 =	vld [tilespmem:s6+$0x180];
	_ =	sdelay $0x4  }
0x142: {  	v1 =	vand.u32 $0x3FFF, v0;
	v0 =	vshrl.u32 v0, $0xE  }
0x143: {  	[tilespmem:$0x2F00] =	vst v1  }
0x144: {  	[tilespmem:$0x2F80] =	vst v0  }
0x145: {  	v0 =	vld [tilespmem:s6+$0x190];
	_ =	sdelay $0x4  }
0x146: {  	v1 =	vand.u32 $0x3FFF, v0;
	v0 =	vshrl.u32 v0, $0xE  }
0x147: {  	[tilespmem:$0x2F10] =	vst v1  }
0x148: {  	[tilespmem:$0x2F90] =	vst v0  }
0x149: {  	v0 =	vld [tilespmem:s6+$0x1A0];
	_ =	sdelay $0x4  }
0x14a: {  	v1 =	vand.u32 $0x3FFF, v0;
	v0 =	vshrl.u32 v0, $0xE  }
0x14b: {  	[tilespmem:$0x2F20] =	vst v1  }
0x14c: {  	[tilespmem:$0x2FA0] =	vst v0  }
0x14d: {  	v0 =	vld [tilespmem:s6+$0x1B0];
	_ =	sdelay $0x4  }
0x14e: {  	v1 =	vand.u32 $0x3FFF, v0;
	v0 =	vshrl.u32 v0, $0xE  }
0x14f: {  	[tilespmem:$0x2F30] =	vst v1  }
0x150: {  	[tilespmem:$0x2FB0] =	vst v0  }
0x151: {  	v0 =	vld [tilespmem:s6+$0x1C0];
	_ =	sdelay $0x4  }
0x152: {  	v1 =	vand.u32 $0x3FFF, v0;
	v0 =	vshrl.u32 v0, $0xE  }
0x153: {  	[tilespmem:$0x2F40] =	vst v1  }
0x154: {  	[tilespmem:$0x2FC0] =	vst v0  }
0x155: {  	v0 =	vld [tilespmem:s6+$0x1D0];
	_ =	sdelay $0x4  }
0x156: {  	v1 =	vand.u32 $0x3FFF, v0;
	v0 =	vshrl.u32 v0, $0xE  }
0x157: {  	[tilespmem:$0x2F50] =	vst v1  }
0x158: {  	[tilespmem:$0x2FD0] =	vst v0  }
0x159: {  	v0 =	vld [tilespmem:s6+$0x1E0];
	_ =	sdelay $0x4  }
0x15a: {  	v1 =	vand.u32 $0x3FFF, v0;
	v0 =	vshrl.u32 v0, $0xE  }
0x15b: {  	[tilespmem:$0x2F60] =	vst v1  }
0x15c: {  	[tilespmem:$0x2FE0] =	vst v0  }
0x15d: {  	v0 =	vld [tilespmem:s6+$0x1F0];
	_ =	sdelay $0x4  }
0x15e: {  	v1 =	vand.u32 $0x3FFF, v0;
	v0 =	vshrl.u32 v0, $0xE  }
0x15f: {  	[tilespmem:$0x2F70] =	vst v1  }
0x160: {  	[tilespmem:$0x2FF0] =	vst v0  }
0x161: {  	_ =	swait.ge [sflag:s31], $0x4000  }
0x162: {  	[sflag:s31] =	ssyncset.done $0x0  }
0x163: {  	[sflag:s31] =	ssyncadd.s32 $0xFFFFC000  }
0x164: {  	[tilespmem:s24], [sflag:$0x2] =	stream.indirect.gather [hbm4b:s5+s21], $0x80, s0, s21, $0xb8;
	[tilespmem:$0x1F000] =	vst v63  }
0x165: {  	_ =	swait.ge [sflag:s25], $0x4000  }
0x166: {  	[sflag:s25] =	ssyncset.done $0x0  }
0x167: {  	[sflag:s25] =	ssyncadd.s32 $0xFFFFC000  }
0x168: {  	[spmem:s1] =	stream.indirect.scatter.add.f32 [tilespmem:s19], [sflag:$0x3], $0x80, s2, s21, $0xb8;
	[tilespmem:$0x1F000] =	vst v63  }
0x169: {  	v0 =	vld [tilespmem:s6+$0x200];
	_ =	sdelay $0x4  }
0x16a: {  	v1 =	vand.u32 $0x3FFF, v0;
	v0 =	vshrl.u32 v0, $0xE  }
0x16b: {  	[tilespmem:$0x2C00] =	vst v1  }
0x16c: {  	[tilespmem:$0x2C80] =	vst v0  }
0x16d: {  	v0 =	vld [tilespmem:s6+$0x210];
	_ =	sdelay $0x4  }
0x16e: {  	v1 =	vand.u32 $0x3FFF, v0;
	v0 =	vshrl.u32 v0, $0xE  }
0x16f: {  	[tilespmem:$0x2C10] =	vst v1  }
0x170: {  	[tilespmem:$0x2C90] =	vst v0  }
0x171: {  	v0 =	vld [tilespmem:s6+$0x220];
	_ =	sdelay $0x4  }
0x172: {  	v1 =	vand.u32 $0x3FFF, v0;
	v0 =	vshrl.u32 v0, $0xE  }
0x173: {  	[tilespmem:$0x2C20] =	vst v1  }
0x174: {  	[tilespmem:$0x2CA0] =	vst v0  }
0x175: {  	v0 =	vld [tilespmem:s6+$0x230];
	_ =	sdelay $0x4  }
0x176: {  	v1 =	vand.u32 $0x3FFF, v0;
	v0 =	vshrl.u32 v0, $0xE  }
0x177: {  	[tilespmem:$0x2C30] =	vst v1  }
0x178: {  	[tilespmem:$0x2CB0] =	vst v0  }
0x179: {  	v0 =	vld [tilespmem:s6+$0x240];
	_ =	sdelay $0x1  }
.Ltmp0:
0x17a: {  	(pc) =	sbr.rel @p0 .LBB2_2-.Ltmp0, $3  }
0x17b: {  	_ =	sdelay $0x1  }
0x17c: {  	v1 =	vand.u32 $0x3FFF, v0;
	v0 =	vshrl.u32 v0, $0xE  }
0x17d: {  	[tilespmem:$0x2C40] =	vst v1  }
0x17e: {  	[tilespmem:$0x2CC0] =	vst v0  }
0x17f: {  	v0 =	vld [tilespmem:s6+$0x250];
	_ =	sdelay $0x4  }
0x180: {  	v1 =	vand.u32 $0x3FFF, v0  }
0x181: {  	v0 =	vshrl.u32 v0, $0xE;
	[tilespmem:$0x2C50] =	vst v1  }
0x182: {  	[tilespmem:$0x2CD0] =	vst v0  }
0x183: {  	v0 =	vld [tilespmem:s6+$0x260];
	_ =	sdelay $0x4  }
0x184: {  	v41 =	vand.u32 $0x3FFF, v0  }
0x185: {  	v0 =	vshrl.u32 v0, $0xE;
	[tilespmem:$0x2C60] =	vst v41  }
0x186: {  	[tilespmem:$0x2CE0] =	vst v0  }
0x187: {  	v0 =	vld [tilespmem:s6+$0x270];
	_ =	sdelay $0x4  }
0x188: {  	v42 =	vand.u32 $0x3FFF, v0  }
0x189: {  	v0 =	vshrl.u32 v0, $0xE;
	[tilespmem:$0x2C70] =	vst v42  }
0x18a: {  	[tilespmem:$0x2CF0] =	vst v0  }
0x18b: {  	_ =	swait.ge [sflag:s20], $0x4000  }
0x18c: {  	[sflag:s20] =	ssyncset.done $0x0  }
0x18d: {  	[sflag:s20] =	ssyncadd.s32 $0xFFFFC000  }
0x18e: {  	[tilespmem:s19], [sflag:$0x1] =	stream.indirect.gather [hbm4b:s5+s21], $0x80, s22, s21, $0xb8;
	[tilespmem:$0x1F000] =	vst v63  }
0x18f: {  	_ =	swait.ge [sflag:s29], $0x4000  }
0x190: {  	[sflag:s29] =	ssyncset.done $0x0  }
0x191: {  	[sflag:s29] =	ssyncadd.s32 $0xFFFFC000  }
0x192: {  	[spmem:s1] =	stream.indirect.scatter.add.f32 [tilespmem:s24], [sflag:$0x4], $0x80, s3, s21, $0xb8;
	[tilespmem:$0x1F000] =	vst v63  }
0x193: {  	v43 =	vld [tilespmem:$0x2880];
	_ =	sdelay $0x1  }
0x194: {  	v44 =	vld [tilespmem:$0x2890];
	_ =	sdelay $0x1  }
0x195: {  	v2 =	vld [tilespmem:$0x28A0]  }
0x196: {  	v3 =	vand.u32 $0x3FFF, v43  }
0x197: {  	v45 =	vld [tilespmem:$0x28B0];
	v0 =	vshrl.u32 v43, $0xE;
	[tilespmem:$0x2D00] =	vst v3  }
0x198: {  	v46 =	vand.u32 $0x3FFF, v44;
	[tilespmem:$0x2D80] =	vst v0  }
0x199: {  	v48 =	vld [tilespmem:$0x28C0];
	v47 =	vshrl.u32 v44, $0xE;
	[tilespmem:$0x2D10] =	vst v46  }
0x19a: {  	v49 =	vand.u32 $0x3FFF, v2;
	[tilespmem:$0x2D90] =	vst v47  }
0x19b: {  	v51 =	vld [tilespmem:$0x28D0];
	v50 =	vshrl.u32 v2, $0xE;
	[tilespmem:$0x2D20] =	vst v49  }
0x19c: {  	v52 =	vand.u32 $0x3FFF, v45;
	[tilespmem:$0x2DA0] =	vst v50  }
0x19d: {  	v54 =	vld [tilespmem:$0x28E0];
	v53 =	vshrl.u32 v45, $0xE;
	[tilespmem:$0x2D30] =	vst v52  }
0x19e: {  	v55 =	vand.u32 $0x3FFF, v48;
	[tilespmem:$0x2DB0] =	vst v53  }
0x19f: {  	v57 =	vld [tilespmem:$0x28F0];
	v56 =	vshrl.u32 v48, $0xE;
	[tilespmem:$0x2D40] =	vst v55  }
0x1a0: {  	v58 =	vand.u32 $0x3FFF, v51;
	[tilespmem:$0x2DC0] =	vst v56  }
0x1a1: {  	v59 =	vshrl.u32 v51, $0xE;
	[tilespmem:$0x2D50] =	vst v58  }
0x1a2: {  	v60 =	vand.u32 $0x3FFF, v54;
	[tilespmem:$0x2DD0] =	vst v59  }
0x1a3: {  	v61 =	vshrl.u32 v54, $0xE;
	[tilespmem:$0x2D60] =	vst v60  }
0x1a4: {  	v62 =	vand.u32 $0x3FFF, v57;
	[tilespmem:$0x2DE0] =	vst v61  }
0x1a5: {  	v63 =	vshrl.u32 v57, $0xE;
	[tilespmem:$0x2D70] =	vst v62  }
0x1a6: {  	[tilespmem:$0x2DF0] =	vst v63  }
0x1a7: {  	_ =	swait.ge [sflag:s31], $0x4000  }
0x1a8: {  	[sflag:s31] =	ssyncset.done $0x0  }
0x1a9: {  	[sflag:s31] =	ssyncadd.s32 $0xFFFFC000  }
0x1aa: {  	[tilespmem:s24], [sflag:$0x2] =	stream.indirect.gather [hbm4b:s5+s21], $0x80, s23, s21, $0xb8;
	[tilespmem:$0x1F000] =	vst v63  }
0x1ab: {  	_ =	swait.ge [sflag:s25], $0x4000  }
0x1ac: {  	[sflag:s25] =	ssyncset.done $0x0  }
0x1ad: {  	[sflag:s25] =	ssyncadd.s32 $0xFFFFC000  }
0x1ae: {  	[spmem:s1] =	stream.indirect.scatter.add.f32 [tilespmem:s19], [sflag:$0x3], $0x80, s26, s21, $0xb8;
	[tilespmem:$0x1F000] =	vst v63  }
0x1af: {  	_ =	swait.ge [sflag:s20], $0x4000  }
0x1b0: {  	[sflag:s20] =	ssyncset.done $0x0  }
0x1b1: {  	[sflag:s20] =	ssyncadd.s32 $0xFFFFC000  }
0x1b2: {  	_ =	swait.ge [sflag:s29], $0x4000  }
0x1b3: {  	[sflag:s29] =	ssyncset.done $0x0  }
0x1b4: {  	[sflag:s29] =	ssyncadd.s32 $0xFFFFC000  }
0x1b5: {  	[spmem:s1] =	stream.indirect.scatter.add.f32 [tilespmem:s24], [sflag:$0x4], $0x80, s30, s21, $0xb8;
	[tilespmem:$0x1F000] =	vst v63  }
0x1b6: {  	_ =	swait.ge [sflag:s31], $0x4000  }
0x1b7: {  	[sflag:s31] =	ssyncset.done $0x0  }
0x1b8: {  	s12 =	stileid.u32;
	[sflag:s31] =	ssyncadd.s32 $0xFFFFC000  }
0x1b9: {  	s6 =	sshll.u32 s12, $0x6;
	[bflag:$0x0] =	sbarrier.arrive $0xFFFF  }
0x1ba: {  	s12 =	sshrl.u32 s7, $0x3;
	s6 =	sor.u32 $0x1C01, s6;
	s13 =	rddreg [dreg:$0x6]  }
0x1bb: {  	[hbm:s13], [sflag:s6] =	dma.local [spmem:s12], $0x800  }
0x1bc: {  	s12 =	sshrl.u32 s8, $0x3;
	s13 =	rddreg [dreg:$0x7]  }
0x1bd: {  	[hbm:s13], [sflag:s6] =	dma.local [spmem:s12], $0x800  }
0x1be: {  	s13 =	sshrl.u32 s9, $0x3  }
0x1bf: {  	[hbm:s14], [sflag:s6] =	dma.local [spmem:s13], $0x800  }
0x1c0: {  	s13 =	sshrl.u32 s10, $0x3  }
0x1c1: {  	[hbm:s15], [sflag:s6] =	dma.local [spmem:s13], $0x800  }
0x1c2: {  	s13 =	sshrl.u32 s11, $0x3  }
0x1c3: {  	[hbm:s16], [sflag:s6] =	dma.local [spmem:s13], $0x800  }
0x1c4: {  	_ =	swait.ge [sflag:s25], $0x800  }
0x1c5: {  	[sflag:s25] =	ssyncset.done $0x0  }
0x1c6: {  	[sflag:s25] =	ssyncadd.s32 $0xFFFFF800  }
0x1c7: {  	_ =	swait.ge [sflag:s25], $0x800  }
0x1c8: {  	[sflag:s25] =	ssyncset.done $0x0  }
0x1c9: {  	[sflag:s25] =	ssyncadd.s32 $0xFFFFF800  }
0x1ca: {  	_ =	swait.ge [sflag:s25], $0x800  }
0x1cb: {  	[sflag:s25] =	ssyncset.done $0x0  }
0x1cc: {  	s4 =	sadd.s32 $0x1, s4;
	[sflag:s25] =	ssyncadd.s32 $0xFFFFF800  }
0x1cd: {  	p0 =	sne.s32 s4, s17;
	_ =	swait.ge [sflag:s25], $0x800  }
.Ltmp1:
0x1ce: {  	[sflag:s25] =	ssyncset.done $0x0;
	(pc) =	sbr.rel @p0 .LBB2_1-.Ltmp1, $4  }
0x1cf: {  	[sflag:s25] =	ssyncadd.s32 $0xFFFFF800  }
0x1d0: {  	_ =	swait.ge [sflag:s25], $0x800  }
0x1d1: {  	[sflag:s25] =	ssyncset.done $0x0  }
0x1d2: {  	[sflag:s25] =	ssyncadd.s32 $0xFFFFF800  }
0x1d3: {  	_ =	sfence.sel $0x180000  }
0x1d4: {  	[bflag:$0x0] =	sbarrier.arrive $0xFFFF  }
0x1d5: {  	_ =	strace $0x9000004A  }
0x1d6: {  	s0 =	stileid.u32;
	[bflag:$0x2] =	sbarrier.arrive $0xFFFF  }
0x1d7: {  	p0 =	sne.s32 s0, $0x0;
	s0 =	rddreg [dreg:$0x3]  }
0x1d8: {  	s0 =	sadd.s32 @!p0 $0x100000, s0  }
0x1d9: {  	[sflag:s0] =	ssyncadd.tile.s32 @!p0 $0x1;
	_ =	shalt  }
.Lfunc_end2:
_tile_overlayer_lowered:
.L_overlay_start_2:
0x1da: {  	(tag) =	ssettag $0x2  }
0x1db: {  	s0 =	rddreg [dreg:$0x0];
	s2 =	stileid.u32  }
0x1dc: {  	s1 =	rddreg [dreg:$0x1];
	p0 =	sne.s32 s2, $0x0  }
0x1dd: {  	s3 =	rddreg [dreg:$0x2];
	[bflag:$0x3] =	sbarrier.arrive $0xFFFF;
	s2 =	simm.s32 @!p0 $0x1C05  }
0x1de: {  	[timem:s3], [sflag:s2] =	dma.local @!p0 [hbm:s0], s1  }
0x1df: {  	s0 =	simm.s32 @!p0 $0x5  }
0x1e0: {  	_ =	swait.ge @!p0 [sflag:s0], s1  }
0x1e1: {  	s1 =	ssub.s32 @!p0 $0x0, s1;
	[sflag:s0] =	ssyncset.done @!p0 $0x0  }
0x1e2: {  	[sflag:s0] =	ssyncadd.s32 @!p0 s1  }
0x1e3: {  	[bflag:$0x3] =	sbarrier.arrive $0xFFFF  }
0x1e4: {  	_ =	shalt  }

</sc_bundles>
